<compile_context>
chip_gen: v7x
topology: tpu7x:2x2x1
jax: 0.10.2.dev20260603
libtpu: 0.0.44.dev20260713+nightly
codegen_flags: <defaults>
</compile_context>

<pallas_src>
import functools
import jax
import jax.numpy as jnp
import numpy as np
from jax import lax
from jax.experimental import pallas as pl
from jax.experimental.pallas import tpu as pltpu
from jax.experimental.pallas import tpu_sc as plsc

N = 4096
H = 256
W = 256
C = 3
G = 64
ROWS = 8
NB = H // ROWS
PX = ROWS * W
RCUT = 8.5
IDXC = 128
NPAD = N + IDXC
NCHP = NPAD // G
NV = N // 16
NPAR = 8


def _project_kernel(p_ref, cy_ref, tab_ref, bounds_ref):
    xt = jnp.tanh(p_ref[0:1, :])
    yt = jnp.tanh(p_ref[1:2, :])
    s0 = jnp.abs(p_ref[2:3, :]) + 0.3
    s1 = jnp.abs(p_ref[3:4, :]) + 0.3
    theta = jax.nn.sigmoid(p_ref[4:5, :]) * (2.0 * np.pi)
    cos_t = jnp.cos(theta)
    sin_t = jnp.sin(theta)
    a = cos_t * cos_t * s0 * s0 + sin_t * sin_t * s1 * s1
    b = cos_t * sin_t * (s0 * s0 - s1 * s1)
    c = sin_t * sin_t * s0 * s0 + cos_t * cos_t * s1 * s1
    inv_det = 1.0 / (a * c - b * b)
    cx = 0.5 * W * (xt + 1.0) - 0.5
    cy = 0.5 * H * (yt + 1.0) - 0.5
    op = p_ref[8:9, :]
    cy_ref[...] = cy.reshape(N)
    rows = jnp.concatenate(
        [cx, cy, -0.5 * c * inv_det, b * inv_det, -0.5 * a * inv_det,
         p_ref[5:6, :] * op, p_ref[6:7, :] * op, p_ref[7:8, :] * op], axis=0)
    tab_ref[...] = rows.T
    ri = lax.broadcasted_iota(jnp.int32, (NB, 1), 0)
    lo_thr = ((ri - 2) * ROWS).astype(jnp.float32)
    hi_thr = ((ri + 2) * ROWS).astype(jnp.float32)
    lo_cnt = jnp.sum((cy < lo_thr).astype(jnp.int32), axis=1)
    hi_cnt = jnp.sum((cy < hi_thr).astype(jnp.int32), axis=1)
    ri1 = ri.reshape(NB)
    lo_cnt = jnp.where(ri1 >= 3, lo_cnt, 0)
    hi_cnt = jnp.where(ri1 >= NB - 2, N, hi_cnt)
    bounds_ref[0:1, :] = lo_cnt.reshape(1, NB)
    bounds_ref[1:2, :] = hi_cnt.reshape(1, NB)


def _bin_kernel(cy_h, tab_h, zeros_h, otab_h, cyv, gid, posb, stage,
                sem1, sem2):
    wid = lax.axis_index("s") * 2 + lax.axis_index("c")

    pltpu.sync_copy(cy_h, cyv)

    @pl.when(wid == 0)
    def _():
        pltpu.sync_copy(zeros_h, stage)
        pltpu.async_copy(stage, otab_h.at[pl.ds(N, IDXC)], sem2).wait()

    def zfill_body(k, carry):
        gid[pl.ds(k * 16, 16)] = jnp.zeros((16,), jnp.int32)
        return carry

    lax.fori_loop(0, NV, zfill_body, jnp.int32(0))

    lane = lax.iota(jnp.int32, 16)

    def bucket_of(v):
        return jnp.clip((v * (1.0 / ROWS)).astype(jnp.int32), 0, NB - 1)

    def count_body(k, carry):
        acc_lt, acc_eq = carry
        bkt = bucket_of(cyv[pl.ds(k * 16, 16)])
        acc_lt = acc_lt + jnp.where(bkt < wid, 1, 0)
        acc_eq = acc_eq + jnp.where(bkt == wid, 1, 0)
        return acc_lt, acc_eq

    zero16 = jnp.zeros((16,), jnp.int32)
    acc_lt, acc_eq = lax.fori_loop(0, NV, count_body, (zero16, zero16))

    def prefix(x):
        for s in (1, 2, 4, 8):
            shifted = x.at[jnp.maximum(lane - s, 0)].get(
                mode="promise_in_bounds")
            x = x + jnp.where(lane >= s, shifted, 0)
        return x

    peq = prefix(acc_eq)
    excl = peq - acc_eq
    plt = prefix(acc_lt)
    base = plt[15]
    n = peq[15]

    def scan_body(k, dest_vec):
        bkt = bucket_of(cyv[pl.ds(k * 16, 16)])
        eq = bkt == wid
        plsc.store_scatter(gid, [dest_vec], k * 16 + lane, mask=eq)
        return dest_vec + jnp.where(eq, 1, 0)

    lax.fori_loop(0, NV, scan_body, excl)

    nch = (n + IDXC - 1) // IDXC

    def dma_body(j, carry):
        for q in range(IDXC // 16):
            g = j * IDXC + q * 16 + lane
            pv = jnp.where(g < n, base + g, N + q * 16 + lane)
            posb[pl.ds(q * 16, 16)] = pv
        pltpu.async_copy(tab_h.at[gid.at[pl.ds(j * IDXC, IDXC)]],
                         stage, sem1).wait()
        pltpu.async_copy(stage, otab_h.at[posb], sem2).wait()
        return carry

    lax.fori_loop(0, nch, dma_body, jnp.int32(0))


def _bin_call(cy, tab, zeros):
    fn = pl.kernel(
        _bin_kernel,
        mesh=plsc.VectorSubcoreMesh(core_axis_name="c", subcore_axis_name="s"),
        compiler_params=pltpu.CompilerParams(needs_layout_passes=False,
                                             use_tc_tiling_on_sc=False),
        out_type=jax.ShapeDtypeStruct((NPAD, NPAR), jnp.float32),
        scratch_types=[
            pltpu.VMEM((N,), jnp.float32),
            pltpu.VMEM((N,), jnp.int32),
            pltpu.VMEM((IDXC,), jnp.int32),
            pltpu.VMEM((IDXC, NPAR), jnp.float32),
            pltpu.SemaphoreType.DMA,
            pltpu.SemaphoreType.DMA,
        ],
    )
    return fn(cy, tab, zeros)


def _raster_kernel(bounds_ref, tab_ref, out_ref):
    i = pl.program_id(0)
    elo = bounds_ref[0, i]
    ehi = bounds_ref[1, i]
    lo = elo // G
    hi = (ehi + G - 1) // G
    pix = lax.broadcasted_iota(jnp.int32, (G, PX), 1)
    gx = (pix & (W - 1)).astype(jnp.float32)
    gy = (pix >> 8).astype(jnp.float32) + (i * ROWS).astype(jnp.float32)

    def chunk(j, acc):
        jm = jnp.minimum(j, NCHP - 1)
        slab = tab_ref[jm]
        cxc = slab[:, 0:1]
        cyc = slab[:, 1:2]
        ac = slab[:, 2:3]
        bc = slab[:, 3:4]
        cc = slab[:, 4:5]
        dx = gx - cxc
        dy = gy - cyc
        power = (ac * dx) * dx + ((bc * dx) + (cc * dy)) * dy
        ent = lax.broadcasted_iota(jnp.int32, (G, 1), 0) + j * G
        power = jnp.where(ent < ehi, power, -1e30)
        w = jnp.exp(power)
        vt = slab[:, 5:8]
        return acc + lax.dot_general(
            vt, w, (((0,), (0,)), ((), ())),
            preferred_element_type=jnp.float32)

    def body(k, acc):
        j = lo + 2 * k
        return chunk(j + 1, chunk(j, acc))

    npair = (hi - lo + 1) // 2
    acc = lax.fori_loop(0, npair, body, jnp.zeros((C, PX), jnp.float32))
    out_ref[...] = acc.reshape(C, ROWS, W)


def kernel(xy, scaling, rotation, values, opacity):
    packed = jnp.concatenate(
        [xy, scaling, rotation, values, opacity], axis=1).T
    cy, tab, bounds = pl.pallas_call(
        _project_kernel,
        out_shape=[jax.ShapeDtypeStruct((N,), jnp.float32),
                   jax.ShapeDtypeStruct((N, NPAR), jnp.float32),
                   jax.ShapeDtypeStruct((2, NB), jnp.int32)],
    )(packed)

    btab = _bin_call(cy, tab, jnp.zeros((IDXC, NPAR), jnp.float32))

    full = lambda shp: pl.BlockSpec(shp, lambda *_: tuple(0 for _ in shp))
    out = pl.pallas_call(
        _raster_kernel,
        grid_spec=pltpu.PrefetchScalarGridSpec(
            num_scalar_prefetch=1,
            grid=(NB,),
            in_specs=[full((NCHP, G, NPAR))],
            out_specs=pl.BlockSpec((C, ROWS, W), lambda i, b: (0, i, 0)),
        ),
        out_shape=jax.ShapeDtypeStruct((C, H, W), jnp.float32),
    )(bounds, btab.reshape(NCHP, G, NPAR))

    return out.reshape(1, C, H, W)

# --- scband reference (transcript-rebuilt; emitter-appended) ---
"""Pipeline reference for scband-gaussian-bw-58677843198012 (READ-ONLY COPY).

The authoritative reference and input builder live on the scoring server;
editing this copy changes nothing except your own understanding.
"""

import jax, jax.numpy as jnp
import numpy as np

N = 4096
H = 256
W = 256
C = 3
CHUNK = 128


def setup_inputs(seed: int = 0) -> dict:
    key = jax.random.key(seed)
    k1, k2, k3, k4 = jax.random.split(key, 4)
    # xy is initialized to zeros in torch but init_xy_adaptive randomizes it in
    # practice; use small random normals so gaussians are spread over the canvas.
    xy = jax.random.normal(k1, (N, 2), dtype=jnp.float32) * 0.5
    scaling = jax.random.uniform(k2, (N, 2), dtype=jnp.float32)
    rotation = jax.random.uniform(k3, (N, 1), dtype=jnp.float32)
    values = jax.random.uniform(k4, (N, C), dtype=jnp.float32) - 0.5
    opacity = jnp.ones((N, 1), dtype=jnp.float32)
    return {"xy": xy, "scaling": scaling, "rotation": rotation, "values": values, "opacity": opacity}


def _forward(xy, scaling, rotation, values, opacity):
    # activations (match torch properties get_xy / get_scaling / get_rotation)
    xy_t = jnp.tanh(xy)
    s = jnp.abs(scaling) + 0.3
    theta = jax.nn.sigmoid(rotation[:, 0]) * 2.0 * np.pi
    cos_t = jnp.cos(theta)
    sin_t = jnp.sin(theta)
    s0 = s[:, 0]
    s1 = s[:, 1]
    # project_gaussians_2d_scale_rot: cov = R diag(s)^2 R^T, conic = cov^{-1}
    a = cos_t * cos_t * s0 * s0 + sin_t * sin_t * s1 * s1
    b = cos_t * sin_t * (s0 * s0 - s1 * s1)
    c = sin_t * sin_t * s0 * s0 + cos_t * cos_t * s1 * s1
    det = a * c - b * b
    conic_a = c / det
    conic_b = -b / det
    conic_c = a / det
    # NDC [-1, 1] -> pixel centers
    cx = 0.5 * W * (xy_t[:, 0] + 1.0) - 0.5
    cy = 0.5 * H * (xy_t[:, 1] + 1.0) - 0.5
    px = jnp.arange(W, dtype=jnp.float32)
    py = jnp.arange(H, dtype=jnp.float32)
    gx, gy = jnp.meshgrid(px, py)  # [H, W] each
    gx = gx.reshape(-1)
    gy = gy.reshape(-1)  # [H*W]
    op = opacity[:, 0]

    def chunk_body(img, inp):
        ccx, ccy, ca, cb, cc, cop, cvals = inp
        dx = gx[None, :] - ccx[:, None]  # [CHUNK, HW]
        dy = gy[None, :] - ccy[:, None]
        power = -0.5 * (ca[:, None] * dx * dx + cc[:, None] * dy * dy) - cb[:, None] * dx * dy
        w = jnp.exp(power) * cop[:, None]  # [CHUNK, HW]
        img = img + jnp.dot(w.T, cvals)    # accumulate [HW, C]
        return img, None

    nchunks = N // CHUNK

    def r(x):
        return x.reshape((nchunks, CHUNK) + x.shape[1:])

    init = jnp.zeros((H * W, C), dtype=jnp.float32)
    img, _ = jax.lax.scan(chunk_body, init,
                          (r(cx), r(cy), r(conic_a), r(conic_b), r(conic_c), r(op), r(values)))
    background = jnp.zeros((C,), dtype=jnp.float32)
    img = img + background[None, :]
    out = img.reshape(1, H, W, C).transpose(0, 3, 1, 2)  # [1, C, H, W]
    return out


def reference(xy, scaling, rotation, values, opacity):
    return _forward(xy, scaling, rotation, values, opacity)

if __name__ == "__main__":
    import jax
    _d = setup_inputs()
    print(jax.jit(kernel)(*tuple(_d.values())))

</pallas_src>

<mosaic_0001>
#map = affine_map<(d0, d1) -> (0)>
#map1 = affine_map<(d0, d1) -> (0, 0)>
module attributes {stable_mosaic.version = 14 : i64} {
  func.func @_bin_kernel(%arg0: i32, %arg1: i32, %arg2: memref<4096xf32, #tpu.memory_space<hbm>>, %arg3: memref<4096x8xf32, #tpu.memory_space<hbm>>, %arg4: memref<128x8xf32, #tpu.memory_space<hbm>>, %arg5: memref<4224x8xf32, #tpu.memory_space<hbm>>, %arg6: memref<4096xf32, #tpu.memory_space<vmem>>, %arg7: memref<4096xi32, #tpu.memory_space<vmem>>, %arg8: memref<128xi32, #tpu.memory_space<vmem>>, %arg9: memref<128x8xf32, #tpu.memory_space<vmem>>, %arg10: memref<!tpu.dma_semaphore, #tpu.memory_space<semaphore_mem>>, %arg11: memref<!tpu.dma_semaphore, #tpu.memory_space<semaphore_mem>>) attributes {dimension_semantics = [#tpu.dimension_semantics<core_parallel>, #tpu.dimension_semantics<subcore_parallel>], iteration_bounds = array<i64: 2, 16>, scalar_prefetch = 0 : i64, scratch_operands = 6 : i64, tpu.core_type = #tpu.core_type<sc_vector_subcore>, window_params = [{transform_indices = #map}, {transform_indices = #map1}, {transform_indices = #map1}, {transform_indices = #map1}]} {
    %mul3A = arith.constant 2 : i32
    %mul3A_0 = arith.muli %arg1, %mul3A : i32
    %add3A = arith.addi %mul3A_0, %arg0 : i32
    "tpu.region"() ({
      %run_scoped3A = tpu.sem_alloc : memref<!tpu.dma_semaphore, #tpu.memory_space<semaphore_mem>>
      tpu.enqueue_dma source(%arg2 : memref<4096xf32, #tpu.memory_space<hbm>>) target(%arg6 : memref<4096xf32, #tpu.memory_space<vmem>>) target_semaphore(%run_scoped3A : memref<!tpu.dma_semaphore, #tpu.memory_space<semaphore_mem>>)
      tpu.wait_dma2 semaphore(%run_scoped3A : memref<!tpu.dma_semaphore, #tpu.memory_space<semaphore_mem>>) src(%arg2 : memref<4096xf32, #tpu.memory_space<hbm>>) dst(%arg6 : memref<4096xf32, #tpu.memory_space<vmem>>)
      tpu.yield
    }) : () -> ()
    %eq3A = arith.constant 0 : i32
    %eq3A_1 = arith.cmpi eq, %add3A, %eq3A : i32
    %convert_element_type3A = arith.extui %eq3A_1 : i1 to i32
    %cond3A = arith.constant 0 : i32
    %cond3A_2 = arith.cmpi ne, %convert_element_type3A, %cond3A : i32
    scf.if %cond3A_2 {
      "tpu.region"() ({
        %run_scoped3A = tpu.sem_alloc : memref<!tpu.dma_semaphore, #tpu.memory_space<semaphore_mem>>
        tpu.enqueue_dma source(%arg4 : memref<128x8xf32, #tpu.memory_space<hbm>>) target(%arg9 : memref<128x8xf32, #tpu.memory_space<vmem>>) target_semaphore(%run_scoped3A : memref<!tpu.dma_semaphore, #tpu.memory_space<semaphore_mem>>)
        tpu.wait_dma2 semaphore(%run_scoped3A : memref<!tpu.dma_semaphore, #tpu.memory_space<semaphore_mem>>) src(%arg4 : memref<128x8xf32, #tpu.memory_space<hbm>>) dst(%arg9 : memref<128x8xf32, #tpu.memory_space<vmem>>)
        tpu.yield
      }) : () -> ()
      %dma_start3A = arith.constant 4096 : i32
      %dma_start3A_233 = arith.constant 0 : i32
      %dma_start3A_234 = tpu.memref_slice %arg5[%dma_start3A, %dma_start3A_233] : memref<4224x8xf32, #tpu.memory_space<hbm>> -> memref<128x8xf32, #tpu.memory_space<hbm>>
      %dma_start3A_235 = arith.constant 4096 : i32
      %dma_start3A_236 = arith.constant 0 : i32
      %dma_start3A_237 = tpu.memref_slice %arg5[%dma_start3A_235, %dma_start3A_236] : memref<4224x8xf32, #tpu.memory_space<hbm>> -> memref<128x8xf32, #tpu.memory_space<hbm>>
      tpu.enqueue_dma source(%arg9 : memref<128x8xf32, #tpu.memory_space<vmem>>) target(%dma_start3A_237 : memref<128x8xf32, #tpu.memory_space<hbm>>) target_semaphore(%arg11 : memref<!tpu.dma_semaphore, #tpu.memory_space<semaphore_mem>>)
      %dma_wait3A = arith.constant 4096 : i32
      %dma_wait3A_238 = arith.constant 0 : i32
      %dma_wait3A_239 = tpu.memref_slice %arg5[%dma_wait3A, %dma_wait3A_238] : memref<4224x8xf32, #tpu.memory_space<hbm>> -> memref<128x8xf32, #tpu.memory_space<hbm>>
      %dma_wait3A_240 = arith.constant 4096 : i32
      %dma_wait3A_241 = arith.constant 0 : i32
      %dma_wait3A_242 = tpu.memref_slice %arg5[%dma_wait3A_240, %dma_wait3A_241] : memref<4224x8xf32, #tpu.memory_space<hbm>> -> memref<128x8xf32, #tpu.memory_space<hbm>>
      tpu.wait_dma2 semaphore(%arg11 : memref<!tpu.dma_semaphore, #tpu.memory_space<semaphore_mem>>) src(%arg9 : memref<128x8xf32, #tpu.memory_space<vmem>>) dst(%dma_wait3A_242 : memref<128x8xf32, #tpu.memory_space<hbm>>)
    } else {
    }
    %scan3A = arith.constant 0 : i32
    %scan3A_3 = arith.constant 0 : i32
    %scan3A_4 = arith.constant 256 : i32
    %scan3A_5 = arith.addi %scan3A_3, %scan3A_4 : i32
    %scan3A_6 = arith.constant 1 : i32
    scf.for %scan3A_233 = %scan3A_3 to %scan3A_5 step %scan3A_6  : i32 {
      %broadcast_in_dim3A_234 = arith.constant 0 : i32
      %broadcast_in_dim3A_235 = vector.broadcast %broadcast_in_dim3A_234 : i32 to vector<16xi32>
      %mul3A_236 = arith.constant 16 : i32
      %mul3A_237 = arith.muli %scan3A_233, %mul3A_236 : i32
      %swap3A = arith.index_cast %mul3A_237 : i32 to index
      %swap3A_238 = tpu.vector_load %arg7[%swap3A] {strides = array<i32>} : memref<4096xi32, #tpu.memory_space<vmem>>, vector<16xi32>,
      tpu.vector_store %arg7[%swap3A], %broadcast_in_dim3A_235 {strides = array<i32>} : memref<4096xi32, #tpu.memory_space<vmem>>, vector<16xi32>,
    }
    %scan3A_7 = arith.constant 256 : i32
    %iota3A = tpu.iota {dimensions = array<i32: 0>} : vector<16xi32>
    %broadcast_in_dim3A = arith.constant 0 : i32
    %broadcast_in_dim3A_8 = vector.broadcast %broadcast_in_dim3A : i32 to vector<16xi32>
    %scan3A_9 = arith.constant 0 : i32
    %scan3A_10 = arith.constant 256 : i32
    %scan3A_11 = arith.addi %scan3A_9, %scan3A_10 : i32
    %scan3A_12 = arith.constant 1 : i32
    %scan3A_13:2 = scf.for %scan3A_233 = %scan3A_9 to %scan3A_11 step %scan3A_12 iter_args(%scan3A_234 = %broadcast_in_dim3A_8, %scan3A_235 = %broadcast_in_dim3A_8) -> (vector<16xi32>, vector<16xi32>)  : i32 {
      %mul3A_236 = arith.constant 16 : i32
      %mul3A_237 = arith.muli %scan3A_233, %mul3A_236 : i32
      %get3A = arith.index_cast %mul3A_237 : i32 to index
      %get3A_238 = tpu.vector_load %arg6[%get3A] {strides = array<i32>} : memref<4096xf32, #tpu.memory_space<vmem>>, vector<16xf32>,
      %mul3A_239 = arith.constant 1.250000e-01 : f32
      %mul3A_240 = vector.broadcast %mul3A_239 : f32 to vector<16xf32>
      %mul3A_241 = arith.mulf %get3A_238, %mul3A_240 : vector<16xf32>
      %convert_element_type3A_242 = arith.fptosi %mul3A_241 : vector<16xf32> to vector<16xi32>
      %jit3A_243 = arith.constant 0 : i32
      %jit3A_244 = arith.constant 31 : i32
      %max3A_245 = vector.broadcast %jit3A_243 : i32 to vector<16xi32>
      %max3A_246 = arith.maxsi %max3A_245, %convert_element_type3A_242 : vector<16xi32>
      %min3A = vector.broadcast %jit3A_244 : i32 to vector<16xi32>
      %min3A_247 = arith.minsi %min3A, %max3A_246 : vector<16xi32>
      %lt3A_248 = vector.broadcast %add3A : i32 to vector<16xi32>
      %lt3A_249 = arith.cmpi slt, %min3A_247, %lt3A_248 : vector<16xi32>
      %jit3A_250 = arith.constant 1 : i32
      %jit3A_251 = arith.constant 0 : i32
      %broadcast_in_dim3A_252 = vector.broadcast %jit3A_250 : i32 to vector<16xi32>
      %broadcast_in_dim3A_253 = vector.broadcast %jit3A_251 : i32 to vector<16xi32>
      %select_n3A_254 = arith.select %lt3A_249, %broadcast_in_dim3A_252, %broadcast_in_dim3A_253 : vector<16xi1>, vector<16xi32>
      %add3A_255 = arith.addi %scan3A_234, %select_n3A_254 : vector<16xi32>
      %eq3A_256 = vector.broadcast %add3A : i32 to vector<16xi32>
      %eq3A_257 = arith.cmpi eq, %min3A_247, %eq3A_256 : vector<16xi32>
      %jit3A_258 = arith.constant 1 : i32
      %jit3A_259 = arith.constant 0 : i32
      %broadcast_in_dim3A_260 = vector.broadcast %jit3A_258 : i32 to vector<16xi32>
      %broadcast_in_dim3A_261 = vector.broadcast %jit3A_259 : i32 to vector<16xi32>
      %select_n3A_262 = arith.select %eq3A_257, %broadcast_in_dim3A_260, %broadcast_in_dim3A_261 : vector<16xi1>, vector<16xi32>
      %add3A_263 = arith.addi %scan3A_235, %select_n3A_262 : vector<16xi32>
      scf.yield %add3A_255, %add3A_263 : vector<16xi32>, vector<16xi32>
    }
    %scan3A_14 = arith.constant 256 : i32
    %sub3A = arith.constant 1 : i32
    %sub3A_15 = vector.broadcast %sub3A : i32 to vector<16xi32>
    %sub3A_16 = arith.subi %iota3A, %sub3A_15 : vector<16xi32>
    %max3A = arith.constant 0 : i32
    %max3A_17 = vector.broadcast %max3A : i32 to vector<16xi32>
    %max3A_18 = arith.maxsi %sub3A_16, %max3A_17 : vector<16xi32>
    %lt3A = arith.constant 0 : i32
    %lt3A_19 = vector.broadcast %lt3A : i32 to vector<16xi32>
    %lt3A_20 = arith.cmpi slt, %max3A_18, %lt3A_19 : vector<16xi32>
    %add3A_21 = arith.constant 16 : i32
    %add3A_22 = vector.broadcast %add3A_21 : i32 to vector<16xi32>
    %add3A_23 = arith.addi %max3A_18, %add3A_22 : vector<16xi32>
    %select_n3A = arith.select %lt3A_20, %add3A_23, %max3A_18 : vector<16xi1>, vector<16xi32>
    %broadcast_in_dim3A_24 = vector.shape_cast %select_n3A : vector<16xi32> to vector<16x1xi32>
    %gather3A = vector.shape_cast %broadcast_in_dim3A_24 : vector<16x1xi32> to vector<16xi32>
    %gather3A_25 = tpu.dynamic_gather %scan3A_13#1[%gather3A] in [0] : vector<16xi32>, vector<16xi32> -> vector<16xi32>
    %ge3A = arith.constant 1 : i32
    %ge3A_26 = vector.broadcast %ge3A : i32 to vector<16xi32>
    %ge3A_27 = arith.cmpi sge, %iota3A, %ge3A_26 : vector<16xi32>
    %jit3A = arith.constant 0 : i32
    %broadcast_in_dim3A_28 = vector.broadcast %jit3A : i32 to vector<16xi32>
    %select_n3A_29 = arith.select %ge3A_27, %gather3A_25, %broadcast_in_dim3A_28 : vector<16xi1>, vector<16xi32>
    %add3A_30 = arith.addi %scan3A_13#1, %select_n3A_29 : vector<16xi32>
    %sub3A_31 = arith.constant 2 : i32
    %sub3A_32 = vector.broadcast %sub3A_31 : i32 to vector<16xi32>
    %sub3A_33 = arith.subi %iota3A, %sub3A_32 : vector<16xi32>
    %max3A_34 = arith.constant 0 : i32
    %max3A_35 = vector.broadcast %max3A_34 : i32 to vector<16xi32>
    %max3A_36 = arith.maxsi %sub3A_33, %max3A_35 : vector<16xi32>
    %lt3A_37 = arith.constant 0 : i32
    %lt3A_38 = vector.broadcast %lt3A_37 : i32 to vector<16xi32>
    %lt3A_39 = arith.cmpi slt, %max3A_36, %lt3A_38 : vector<16xi32>
    %add3A_40 = arith.constant 16 : i32
    %add3A_41 = vector.broadcast %add3A_40 : i32 to vector<16xi32>
    %add3A_42 = arith.addi %max3A_36, %add3A_41 : vector<16xi32>
    %select_n3A_43 = arith.select %lt3A_39, %add3A_42, %max3A_36 : vector<16xi1>, vector<16xi32>
    %broadcast_in_dim3A_44 = vector.shape_cast %select_n3A_43 : vector<16xi32> to vector<16x1xi32>
    %gather3A_45 = vector.shape_cast %broadcast_in_dim3A_44 : vector<16x1xi32> to vector<16xi32>
    %gather3A_46 = tpu.dynamic_gather %add3A_30[%gather3A_45] in [0] : vector<16xi32>, vector<16xi32> -> vector<16xi32>
    %ge3A_47 = arith.constant 2 : i32
    %ge3A_48 = vector.broadcast %ge3A_47 : i32 to vector<16xi32>
    %ge3A_49 = arith.cmpi sge, %iota3A, %ge3A_48 : vector<16xi32>
    %jit3A_50 = arith.constant 0 : i32
    %broadcast_in_dim3A_51 = vector.broadcast %jit3A_50 : i32 to vector<16xi32>
    %select_n3A_52 = arith.select %ge3A_49, %gather3A_46, %broadcast_in_dim3A_51 : vector<16xi1>, vector<16xi32>
    %add3A_53 = arith.addi %add3A_30, %select_n3A_52 : vector<16xi32>
    %sub3A_54 = arith.constant 4 : i32
    %sub3A_55 = vector.broadcast %sub3A_54 : i32 to vector<16xi32>
    %sub3A_56 = arith.subi %iota3A, %sub3A_55 : vector<16xi32>
    %max3A_57 = arith.constant 0 : i32
    %max3A_58 = vector.broadcast %max3A_57 : i32 to vector<16xi32>
    %max3A_59 = arith.maxsi %sub3A_56, %max3A_58 : vector<16xi32>
    %lt3A_60 = arith.constant 0 : i32
    %lt3A_61 = vector.broadcast %lt3A_60 : i32 to vector<16xi32>
    %lt3A_62 = arith.cmpi slt, %max3A_59, %lt3A_61 : vector<16xi32>
    %add3A_63 = arith.constant 16 : i32
    %add3A_64 = vector.broadcast %add3A_63 : i32 to vector<16xi32>
    %add3A_65 = arith.addi %max3A_59, %add3A_64 : vector<16xi32>
    %select_n3A_66 = arith.select %lt3A_62, %add3A_65, %max3A_59 : vector<16xi1>, vector<16xi32>
    %broadcast_in_dim3A_67 = vector.shape_cast %select_n3A_66 : vector<16xi32> to vector<16x1xi32>
    %gather3A_68 = vector.shape_cast %broadcast_in_dim3A_67 : vector<16x1xi32> to vector<16xi32>
    %gather3A_69 = tpu.dynamic_gather %add3A_53[%gather3A_68] in [0] : vector<16xi32>, vector<16xi32> -> vector<16xi32>
    %ge3A_70 = arith.constant 4 : i32
    %ge3A_71 = vector.broadcast %ge3A_70 : i32 to vector<16xi32>
    %ge3A_72 = arith.cmpi sge, %iota3A, %ge3A_71 : vector<16xi32>
    %jit3A_73 = arith.constant 0 : i32
    %broadcast_in_dim3A_74 = vector.broadcast %jit3A_73 : i32 to vector<16xi32>
    %select_n3A_75 = arith.select %ge3A_72, %gather3A_69, %broadcast_in_dim3A_74 : vector<16xi1>, vector<16xi32>
    %add3A_76 = arith.addi %add3A_53, %select_n3A_75 : vector<16xi32>
    %sub3A_77 = arith.constant 8 : i32
    %sub3A_78 = vector.broadcast %sub3A_77 : i32 to vector<16xi32>
    %sub3A_79 = arith.subi %iota3A, %sub3A_78 : vector<16xi32>
    %max3A_80 = arith.constant 0 : i32
    %max3A_81 = vector.broadcast %max3A_80 : i32 to vector<16xi32>
    %max3A_82 = arith.maxsi %sub3A_79, %max3A_81 : vector<16xi32>
    %lt3A_83 = arith.constant 0 : i32
    %lt3A_84 = vector.broadcast %lt3A_83 : i32 to vector<16xi32>
    %lt3A_85 = arith.cmpi slt, %max3A_82, %lt3A_84 : vector<16xi32>
    %add3A_86 = arith.constant 16 : i32
    %add3A_87 = vector.broadcast %add3A_86 : i32 to vector<16xi32>
    %add3A_88 = arith.addi %max3A_82, %add3A_87 : vector<16xi32>
    %select_n3A_89 = arith.select %lt3A_85, %add3A_88, %max3A_82 : vector<16xi1>, vector<16xi32>
    %broadcast_in_dim3A_90 = vector.shape_cast %select_n3A_89 : vector<16xi32> to vector<16x1xi32>
    %gather3A_91 = vector.shape_cast %broadcast_in_dim3A_90 : vector<16x1xi32> to vector<16xi32>
    %gather3A_92 = tpu.dynamic_gather %add3A_76[%gather3A_91] in [0] : vector<16xi32>, vector<16xi32> -> vector<16xi32>
    %ge3A_93 = arith.constant 8 : i32
    %ge3A_94 = vector.broadcast %ge3A_93 : i32 to vector<16xi32>
    %ge3A_95 = arith.cmpi sge, %iota3A, %ge3A_94 : vector<16xi32>
    %jit3A_96 = arith.constant 0 : i32
    %broadcast_in_dim3A_97 = vector.broadcast %jit3A_96 : i32 to vector<16xi32>
    %select_n3A_98 = arith.select %ge3A_95, %gather3A_92, %broadcast_in_dim3A_97 : vector<16xi1>, vector<16xi32>
    %add3A_99 = arith.addi %add3A_76, %select_n3A_98 : vector<16xi32>
    %sub3A_100 = arith.subi %add3A_99, %scan3A_13#1 : vector<16xi32>
    %sub3A_101 = arith.constant 1 : i32
    %sub3A_102 = vector.broadcast %sub3A_101 : i32 to vector<16xi32>
    %sub3A_103 = arith.subi %iota3A, %sub3A_102 : vector<16xi32>
    %max3A_104 = arith.constant 0 : i32
    %max3A_105 = vector.broadcast %max3A_104 : i32 to vector<16xi32>
    %max3A_106 = arith.maxsi %sub3A_103, %max3A_105 : vector<16xi32>
    %lt3A_107 = arith.constant 0 : i32
    %lt3A_108 = vector.broadcast %lt3A_107 : i32 to vector<16xi32>
    %lt3A_109 = arith.cmpi slt, %max3A_106, %lt3A_108 : vector<16xi32>
    %add3A_110 = arith.constant 16 : i32
    %add3A_111 = vector.broadcast %add3A_110 : i32 to vector<16xi32>
    %add3A_112 = arith.addi %max3A_106, %add3A_111 : vector<16xi32>
    %select_n3A_113 = arith.select %lt3A_109, %add3A_112, %max3A_106 : vector<16xi1>, vector<16xi32>
    %broadcast_in_dim3A_114 = vector.shape_cast %select_n3A_113 : vector<16xi32> to vector<16x1xi32>
    %gather3A_115 = vector.shape_cast %broadcast_in_dim3A_114 : vector<16x1xi32> to vector<16xi32>
    %gather3A_116 = tpu.dynamic_gather %scan3A_13#0[%gather3A_115] in [0] : vector<16xi32>, vector<16xi32> -> vector<16xi32>
    %ge3A_117 = arith.constant 1 : i32
    %ge3A_118 = vector.broadcast %ge3A_117 : i32 to vector<16xi32>
    %ge3A_119 = arith.cmpi sge, %iota3A, %ge3A_118 : vector<16xi32>
    %jit3A_120 = arith.constant 0 : i32
    %broadcast_in_dim3A_121 = vector.broadcast %jit3A_120 : i32 to vector<16xi32>
    %select_n3A_122 = arith.select %ge3A_119, %gather3A_116, %broadcast_in_dim3A_121 : vector<16xi1>, vector<16xi32>
    %add3A_123 = arith.addi %scan3A_13#0, %select_n3A_122 : vector<16xi32>
    %sub3A_124 = arith.constant 2 : i32
    %sub3A_125 = vector.broadcast %sub3A_124 : i32 to vector<16xi32>
    %sub3A_126 = arith.subi %iota3A, %sub3A_125 : vector<16xi32>
    %max3A_127 = arith.constant 0 : i32
    %max3A_128 = vector.broadcast %max3A_127 : i32 to vector<16xi32>
    %max3A_129 = arith.maxsi %sub3A_126, %max3A_128 : vector<16xi32>
    %lt3A_130 = arith.constant 0 : i32
    %lt3A_131 = vector.broadcast %lt3A_130 : i32 to vector<16xi32>
    %lt3A_132 = arith.cmpi slt, %max3A_129, %lt3A_131 : vector<16xi32>
    %add3A_133 = arith.constant 16 : i32
    %add3A_134 = vector.broadcast %add3A_133 : i32 to vector<16xi32>
    %add3A_135 = arith.addi %max3A_129, %add3A_134 : vector<16xi32>
    %select_n3A_136 = arith.select %lt3A_132, %add3A_135, %max3A_129 : vector<16xi1>, vector<16xi32>
    %broadcast_in_dim3A_137 = vector.shape_cast %select_n3A_136 : vector<16xi32> to vector<16x1xi32>
    %gather3A_138 = vector.shape_cast %broadcast_in_dim3A_137 : vector<16x1xi32> to vector<16xi32>
    %gather3A_139 = tpu.dynamic_gather %add3A_123[%gather3A_138] in [0] : vector<16xi32>, vector<16xi32> -> vector<16xi32>
    %ge3A_140 = arith.constant 2 : i32
    %ge3A_141 = vector.broadcast %ge3A_140 : i32 to vector<16xi32>
    %ge3A_142 = arith.cmpi sge, %iota3A, %ge3A_141 : vector<16xi32>
    %jit3A_143 = arith.constant 0 : i32
    %broadcast_in_dim3A_144 = vector.broadcast %jit3A_143 : i32 to vector<16xi32>
    %select_n3A_145 = arith.select %ge3A_142, %gather3A_139, %broadcast_in_dim3A_144 : vector<16xi1>, vector<16xi32>
    %add3A_146 = arith.addi %add3A_123, %select_n3A_145 : vector<16xi32>
    %sub3A_147 = arith.constant 4 : i32
    %sub3A_148 = vector.broadcast %sub3A_147 : i32 to vector<16xi32>
    %sub3A_149 = arith.subi %iota3A, %sub3A_148 : vector<16xi32>
    %max3A_150 = arith.constant 0 : i32
    %max3A_151 = vector.broadcast %max3A_150 : i32 to vector<16xi32>
    %max3A_152 = arith.maxsi %sub3A_149, %max3A_151 : vector<16xi32>
    %lt3A_153 = arith.constant 0 : i32
    %lt3A_154 = vector.broadcast %lt3A_153 : i32 to vector<16xi32>
    %lt3A_155 = arith.cmpi slt, %max3A_152, %lt3A_154 : vector<16xi32>
    %add3A_156 = arith.constant 16 : i32
    %add3A_157 = vector.broadcast %add3A_156 : i32 to vector<16xi32>
    %add3A_158 = arith.addi %max3A_152, %add3A_157 : vector<16xi32>
    %select_n3A_159 = arith.select %lt3A_155, %add3A_158, %max3A_152 : vector<16xi1>, vector<16xi32>
    %broadcast_in_dim3A_160 = vector.shape_cast %select_n3A_159 : vector<16xi32> to vector<16x1xi32>
    %gather3A_161 = vector.shape_cast %broadcast_in_dim3A_160 : vector<16x1xi32> to vector<16xi32>
    %gather3A_162 = tpu.dynamic_gather %add3A_146[%gather3A_161] in [0] : vector<16xi32>, vector<16xi32> -> vector<16xi32>
    %ge3A_163 = arith.constant 4 : i32
    %ge3A_164 = vector.broadcast %ge3A_163 : i32 to vector<16xi32>
    %ge3A_165 = arith.cmpi sge, %iota3A, %ge3A_164 : vector<16xi32>
    %jit3A_166 = arith.constant 0 : i32
    %broadcast_in_dim3A_167 = vector.broadcast %jit3A_166 : i32 to vector<16xi32>
    %select_n3A_168 = arith.select %ge3A_165, %gather3A_162, %broadcast_in_dim3A_167 : vector<16xi1>, vector<16xi32>
    %add3A_169 = arith.addi %add3A_146, %select_n3A_168 : vector<16xi32>
    %sub3A_170 = arith.constant 8 : i32
    %sub3A_171 = vector.broadcast %sub3A_170 : i32 to vector<16xi32>
    %sub3A_172 = arith.subi %iota3A, %sub3A_171 : vector<16xi32>
    %max3A_173 = arith.constant 0 : i32
    %max3A_174 = vector.broadcast %max3A_173 : i32 to vector<16xi32>
    %max3A_175 = arith.maxsi %sub3A_172, %max3A_174 : vector<16xi32>
    %lt3A_176 = arith.constant 0 : i32
    %lt3A_177 = vector.broadcast %lt3A_176 : i32 to vector<16xi32>
    %lt3A_178 = arith.cmpi slt, %max3A_175, %lt3A_177 : vector<16xi32>
    %add3A_179 = arith.constant 16 : i32
    %add3A_180 = vector.broadcast %add3A_179 : i32 to vector<16xi32>
    %add3A_181 = arith.addi %max3A_175, %add3A_180 : vector<16xi32>
    %select_n3A_182 = arith.select %lt3A_178, %add3A_181, %max3A_175 : vector<16xi1>, vector<16xi32>
    %broadcast_in_dim3A_183 = vector.shape_cast %select_n3A_182 : vector<16xi32> to vector<16x1xi32>
    %gather3A_184 = vector.shape_cast %broadcast_in_dim3A_183 : vector<16x1xi32> to vector<16xi32>
    %gather3A_185 = tpu.dynamic_gather %add3A_169[%gather3A_184] in [0] : vector<16xi32>, vector<16xi32> -> vector<16xi32>
    %ge3A_186 = arith.constant 8 : i32
    %ge3A_187 = vector.broadcast %ge3A_186 : i32 to vector<16xi32>
    %ge3A_188 = arith.cmpi sge, %iota3A, %ge3A_187 : vector<16xi32>
    %jit3A_189 = arith.constant 0 : i32
    %broadcast_in_dim3A_190 = vector.broadcast %jit3A_189 : i32 to vector<16xi32>
    %select_n3A_191 = arith.select %ge3A_188, %gather3A_185, %broadcast_in_dim3A_190 : vector<16xi1>, vector<16xi32>
    %add3A_192 = arith.addi %add3A_169, %select_n3A_191 : vector<16xi32>
    %slice3A = vector.extract_strided_slice %add3A_192 {offsets = [15], sizes = [1], strides = [1]} : vector<16xi32> to vector<1xi32>
    %squeeze3A = vector.extract %slice3A[0] : i32 from vector<1xi32>
    %slice3A_193 = vector.extract_strided_slice %add3A_99 {offsets = [15], sizes = [1], strides = [1]} : vector<16xi32> to vector<1xi32>
    %squeeze3A_194 = vector.extract %slice3A_193[0] : i32 from vector<1xi32>
    %scan3A_195 = arith.constant 0 : i32
    %scan3A_196 = arith.constant 256 : i32
    %scan3A_197 = arith.addi %scan3A_195, %scan3A_196 : i32
    %scan3A_198 = arith.constant 1 : i32
    %scan3A_199 = scf.for %scan3A_233 = %scan3A_195 to %scan3A_197 step %scan3A_198 iter_args(%scan3A_234 = %sub3A_100) -> (vector<16xi32>)  : i32 {
      %mul3A_235 = arith.constant 16 : i32
      %mul3A_236 = arith.muli %scan3A_233, %mul3A_235 : i32
      %get3A = arith.index_cast %mul3A_236 : i32 to index
      %get3A_237 = tpu.vector_load %arg6[%get3A] {strides = array<i32>} : memref<4096xf32, #tpu.memory_space<vmem>>, vector<16xf32>,
      %mul3A_238 = arith.constant 1.250000e-01 : f32
      %mul3A_239 = vector.broadcast %mul3A_238 : f32 to vector<16xf32>
      %mul3A_240 = arith.mulf %get3A_237, %mul3A_239 : vector<16xf32>
      %convert_element_type3A_241 = arith.fptosi %mul3A_240 : vector<16xf32> to vector<16xi32>
      %jit3A_242 = arith.constant 0 : i32
      %jit3A_243 = arith.constant 31 : i32
      %max3A_244 = vector.broadcast %jit3A_242 : i32 to vector<16xi32>
      %max3A_245 = arith.maxsi %max3A_244, %convert_element_type3A_241 : vector<16xi32>
      %min3A = vector.broadcast %jit3A_243 : i32 to vector<16xi32>
      %min3A_246 = arith.minsi %min3A, %max3A_245 : vector<16xi32>
      %eq3A_247 = vector.broadcast %add3A : i32 to vector<16xi32>
      %eq3A_248 = arith.cmpi eq, %min3A_246, %eq3A_247 : vector<16xi32>
      %mul3A_249 = arith.constant 16 : i32
      %mul3A_250 = arith.muli %scan3A_233, %mul3A_249 : i32
      %add3A_251 = vector.broadcast %mul3A_250 : i32 to vector<16xi32>
      %add3A_252 = arith.addi %add3A_251, %iota3A : vector<16xi32>
      tpu.vector_store_idx %arg7[%scan3A_234], %add3A_252 masked %eq3A_248 : memref<4096xi32, #tpu.memory_space<vmem>>[vector<16xi32>], vector<16xi32>, vector<16xi1>
      %jit3A_253 = arith.constant 1 : i32
      %jit3A_254 = arith.constant 0 : i32
      %broadcast_in_dim3A_255 = vector.broadcast %jit3A_253 : i32 to vector<16xi32>
      %broadcast_in_dim3A_256 = vector.broadcast %jit3A_254 : i32 to vector<16xi32>
      %select_n3A_257 = arith.select %eq3A_248, %broadcast_in_dim3A_255, %broadcast_in_dim3A_256 : vector<16xi1>, vector<16xi32>
      %add3A_258 = arith.addi %scan3A_234, %select_n3A_257 : vector<16xi32>
      scf.yield %add3A_258 : vector<16xi32>
    }
    %scan3A_200 = arith.constant 256 : i32
    %add3A_201 = arith.constant 128 : i32
    %add3A_202 = arith.addi %squeeze3A_194, %add3A_201 : i32
    %sub3A_203 = arith.constant 1 : i32
    %sub3A_204 = arith.subi %add3A_202, %sub3A_203 : i32
    %jit3A_205 = arith.constant 128 : i32
    %div3A = arith.divsi %sub3A_204, %jit3A_205 : i32
    %sign3A = arith.constant 0 : i32
    %sign3A_206 = arith.cmpi sgt, %sub3A_204, %sign3A : i32
    %sign3A_207 = arith.extui %sign3A_206 : i1 to i32
    %sign3A_208 = arith.constant 0 : i32
    %sign3A_209 = arith.cmpi slt, %sub3A_204, %sign3A_208 : i32
    %sign3A_210 = arith.extui %sign3A_209 : i1 to i32
    %sign3A_211 = arith.subi %sign3A_207, %sign3A_210 : i32
    %sign3A_212 = arith.constant 0 : i32
    %sign3A_213 = arith.cmpi sgt, %jit3A_205, %sign3A_212 : i32
    %sign3A_214 = arith.extui %sign3A_213 : i1 to i32
    %sign3A_215 = arith.constant 0 : i32
    %sign3A_216 = arith.cmpi slt, %jit3A_205, %sign3A_215 : i32
    %sign3A_217 = arith.extui %sign3A_216 : i1 to i32
    %sign3A_218 = arith.subi %sign3A_214, %sign3A_217 : i32
    %ne3A = arith.cmpi ne, %sign3A_211, %sign3A_218 : i32
    %rem3A = arith.remsi %sub3A_204, %jit3A_205 : i32
    %ne3A_219 = arith.constant 0 : i32
    %ne3A_220 = arith.cmpi ne, %rem3A, %ne3A_219 : i32
    %and3A = arith.andi %ne3A, %ne3A_220 : i1
    %sub3A_221 = arith.constant 1 : i32
    %sub3A_222 = arith.subi %div3A, %sub3A_221 : i32
    %select_n3A_223 = arith.select %and3A, %sub3A_222, %div3A : i32
    %while3A = arith.constant 0 : i32
    %while3A_224 = arith.constant 0 : i32
    %while3A_225 = arith.subi %select_n3A_223, %while3A_224 : i32
    %while3A_226 = arith.addi %while3A_224, %while3A_225 : i32
    %while3A_227 = arith.constant 1 : i32
    %while3A_228 = arith.divsi %while3A_225, %while3A_227 : i32
    %while3A_229 = arith.muli %while3A_228, %while3A_227 : i32
    %while3A_230 = arith.addi %while3A_224, %while3A_229 : i32
    %while3A_231 = arith.constant 1 : i32
    scf.for %while3A_233 = %while3A_224 to %while3A_230 step %while3A_231  : i32 {
      %mul3A_234 = arith.constant 128 : i32
      %mul3A_235 = arith.muli %while3A_233, %mul3A_234 : i32
      %add3A_236 = arith.constant 0 : i32
      %add3A_237 = arith.addi %mul3A_235, %add3A_236 : i32
      %add3A_238 = vector.broadcast %add3A_237 : i32 to vector<16xi32>
      %add3A_239 = arith.addi %add3A_238, %iota3A : vector<16xi32>
      %lt3A_240 = vector.broadcast %squeeze3A_194 : i32 to vector<16xi32>
      %lt3A_241 = arith.cmpi slt, %add3A_239, %lt3A_240 : vector<16xi32>
      %add3A_242 = vector.broadcast %squeeze3A : i32 to vector<16xi32>
      %add3A_243 = arith.addi %add3A_242, %add3A_239 : vector<16xi32>
      %add3A_244 = arith.constant 4096 : i32
      %add3A_245 = vector.broadcast %add3A_244 : i32 to vector<16xi32>
      %add3A_246 = arith.addi %add3A_245, %iota3A : vector<16xi32>
      %select_n3A_247 = arith.select %lt3A_241, %add3A_243, %add3A_246 : vector<16xi1>, vector<16xi32>
      %swap3A = arith.constant 0 : index
      %swap3A_248 = tpu.vector_load %arg8[%swap3A] {strides = array<i32>} : memref<128xi32, #tpu.memory_space<vmem>>, vector<16xi32>,
      tpu.vector_store %arg8[%swap3A], %select_n3A_247 {strides = array<i32>} : memref<128xi32, #tpu.memory_space<vmem>>, vector<16xi32>,
      %mul3A_249 = arith.constant 128 : i32
      %mul3A_250 = arith.muli %while3A_233, %mul3A_249 : i32
      %add3A_251 = arith.constant 16 : i32
      %add3A_252 = arith.addi %mul3A_250, %add3A_251 : i32
      %add3A_253 = vector.broadcast %add3A_252 : i32 to vector<16xi32>
      %add3A_254 = arith.addi %add3A_253, %iota3A : vector<16xi32>
      %lt3A_255 = vector.broadcast %squeeze3A_194 : i32 to vector<16xi32>
      %lt3A_256 = arith.cmpi slt, %add3A_254, %lt3A_255 : vector<16xi32>
      %add3A_257 = vector.broadcast %squeeze3A : i32 to vector<16xi32>
      %add3A_258 = arith.addi %add3A_257, %add3A_254 : vector<16xi32>
      %add3A_259 = arith.constant 4112 : i32
      %add3A_260 = vector.broadcast %add3A_259 : i32 to vector<16xi32>
      %add3A_261 = arith.addi %add3A_260, %iota3A : vector<16xi32>
      %select_n3A_262 = arith.select %lt3A_256, %add3A_258, %add3A_261 : vector<16xi1>, vector<16xi32>
      %swap3A_263 = arith.constant 16 : index
      %swap3A_264 = tpu.vector_load %arg8[%swap3A_263] {strides = array<i32>} : memref<128xi32, #tpu.memory_space<vmem>>, vector<16xi32>,
      tpu.vector_store %arg8[%swap3A_263], %select_n3A_262 {strides = array<i32>} : memref<128xi32, #tpu.memory_space<vmem>>, vector<16xi32>,
      %mul3A_265 = arith.constant 128 : i32
      %mul3A_266 = arith.muli %while3A_233, %mul3A_265 : i32
      %add3A_267 = arith.constant 32 : i32
      %add3A_268 = arith.addi %mul3A_266, %add3A_267 : i32
      %add3A_269 = vector.broadcast %add3A_268 : i32 to vector<16xi32>
      %add3A_270 = arith.addi %add3A_269, %iota3A : vector<16xi32>
      %lt3A_271 = vector.broadcast %squeeze3A_194 : i32 to vector<16xi32>
      %lt3A_272 = arith.cmpi slt, %add3A_270, %lt3A_271 : vector<16xi32>
      %add3A_273 = vector.broadcast %squeeze3A : i32 to vector<16xi32>
      %add3A_274 = arith.addi %add3A_273, %add3A_270 : vector<16xi32>
      %add3A_275 = arith.constant 4128 : i32
      %add3A_276 = vector.broadcast %add3A_275 : i32 to vector<16xi32>
      %add3A_277 = arith.addi %add3A_276, %iota3A : vector<16xi32>
      %select_n3A_278 = arith.select %lt3A_272, %add3A_274, %add3A_277 : vector<16xi1>, vector<16xi32>
      %swap3A_279 = arith.constant 32 : index
      %swap3A_280 = tpu.vector_load %arg8[%swap3A_279] {strides = array<i32>} : memref<128xi32, #tpu.memory_space<vmem>>, vector<16xi32>,
      tpu.vector_store %arg8[%swap3A_279], %select_n3A_278 {strides = array<i32>} : memref<128xi32, #tpu.memory_space<vmem>>, vector<16xi32>,
      %mul3A_281 = arith.constant 128 : i32
      %mul3A_282 = arith.muli %while3A_233, %mul3A_281 : i32
      %add3A_283 = arith.constant 48 : i32
      %add3A_284 = arith.addi %mul3A_282, %add3A_283 : i32
      %add3A_285 = vector.broadcast %add3A_284 : i32 to vector<16xi32>
      %add3A_286 = arith.addi %add3A_285, %iota3A : vector<16xi32>
      %lt3A_287 = vector.broadcast %squeeze3A_194 : i32 to vector<16xi32>
      %lt3A_288 = arith.cmpi slt, %add3A_286, %lt3A_287 : vector<16xi32>
      %add3A_289 = vector.broadcast %squeeze3A : i32 to vector<16xi32>
      %add3A_290 = arith.addi %add3A_289, %add3A_286 : vector<16xi32>
      %add3A_291 = arith.constant 4144 : i32
      %add3A_292 = vector.broadcast %add3A_291 : i32 to vector<16xi32>
      %add3A_293 = arith.addi %add3A_292, %iota3A : vector<16xi32>
      %select_n3A_294 = arith.select %lt3A_288, %add3A_290, %add3A_293 : vector<16xi1>, vector<16xi32>
      %swap3A_295 = arith.constant 48 : index
      %swap3A_296 = tpu.vector_load %arg8[%swap3A_295] {strides = array<i32>} : memref<128xi32, #tpu.memory_space<vmem>>, vector<16xi32>,
      tpu.vector_store %arg8[%swap3A_295], %select_n3A_294 {strides = array<i32>} : memref<128xi32, #tpu.memory_space<vmem>>, vector<16xi32>,
      %mul3A_297 = arith.constant 128 : i32
      %mul3A_298 = arith.muli %while3A_233, %mul3A_297 : i32
      %add3A_299 = arith.constant 64 : i32
      %add3A_300 = arith.addi %mul3A_298, %add3A_299 : i32
      %add3A_301 = vector.broadcast %add3A_300 : i32 to vector<16xi32>
      %add3A_302 = arith.addi %add3A_301, %iota3A : vector<16xi32>
      %lt3A_303 = vector.broadcast %squeeze3A_194 : i32 to vector<16xi32>
      %lt3A_304 = arith.cmpi slt, %add3A_302, %lt3A_303 : vector<16xi32>
      %add3A_305 = vector.broadcast %squeeze3A : i32 to vector<16xi32>
      %add3A_306 = arith.addi %add3A_305, %add3A_302 : vector<16xi32>
      %add3A_307 = arith.constant 4160 : i32
      %add3A_308 = vector.broadcast %add3A_307 : i32 to vector<16xi32>
      %add3A_309 = arith.addi %add3A_308, %iota3A : vector<16xi32>
      %select_n3A_310 = arith.select %lt3A_304, %add3A_306, %add3A_309 : vector<16xi1>, vector<16xi32>
      %swap3A_311 = arith.constant 64 : index
      %swap3A_312 = tpu.vector_load %arg8[%swap3A_311] {strides = array<i32>} : memref<128xi32, #tpu.memory_space<vmem>>, vector<16xi32>,
      tpu.vector_store %arg8[%swap3A_311], %select_n3A_310 {strides = array<i32>} : memref<128xi32, #tpu.memory_space<vmem>>, vector<16xi32>,
      %mul3A_313 = arith.constant 128 : i32
      %mul3A_314 = arith.muli %while3A_233, %mul3A_313 : i32
      %add3A_315 = arith.constant 80 : i32
      %add3A_316 = arith.addi %mul3A_314, %add3A_315 : i32
      %add3A_317 = vector.broadcast %add3A_316 : i32 to vector<16xi32>
      %add3A_318 = arith.addi %add3A_317, %iota3A : vector<16xi32>
      %lt3A_319 = vector.broadcast %squeeze3A_194 : i32 to vector<16xi32>
      %lt3A_320 = arith.cmpi slt, %add3A_318, %lt3A_319 : vector<16xi32>
      %add3A_321 = vector.broadcast %squeeze3A : i32 to vector<16xi32>
      %add3A_322 = arith.addi %add3A_321, %add3A_318 : vector<16xi32>
      %add3A_323 = arith.constant 4176 : i32
      %add3A_324 = vector.broadcast %add3A_323 : i32 to vector<16xi32>
      %add3A_325 = arith.addi %add3A_324, %iota3A : vector<16xi32>
      %select_n3A_326 = arith.select %lt3A_320, %add3A_322, %add3A_325 : vector<16xi1>, vector<16xi32>
      %swap3A_327 = arith.constant 80 : index
      %swap3A_328 = tpu.vector_load %arg8[%swap3A_327] {strides = array<i32>} : memref<128xi32, #tpu.memory_space<vmem>>, vector<16xi32>,
      tpu.vector_store %arg8[%swap3A_327], %select_n3A_326 {strides = array<i32>} : memref<128xi32, #tpu.memory_space<vmem>>, vector<16xi32>,
      %mul3A_329 = arith.constant 128 : i32
      %mul3A_330 = arith.muli %while3A_233, %mul3A_329 : i32
      %add3A_331 = arith.constant 96 : i32
      %add3A_332 = arith.addi %mul3A_330, %add3A_331 : i32
      %add3A_333 = vector.broadcast %add3A_332 : i32 to vector<16xi32>
      %add3A_334 = arith.addi %add3A_333, %iota3A : vector<16xi32>
      %lt3A_335 = vector.broadcast %squeeze3A_194 : i32 to vector<16xi32>
      %lt3A_336 = arith.cmpi slt, %add3A_334, %lt3A_335 : vector<16xi32>
      %add3A_337 = vector.broadcast %squeeze3A : i32 to vector<16xi32>
      %add3A_338 = arith.addi %add3A_337, %add3A_334 : vector<16xi32>
      %add3A_339 = arith.constant 4192 : i32
      %add3A_340 = vector.broadcast %add3A_339 : i32 to vector<16xi32>
      %add3A_341 = arith.addi %add3A_340, %iota3A : vector<16xi32>
      %select_n3A_342 = arith.select %lt3A_336, %add3A_338, %add3A_341 : vector<16xi1>, vector<16xi32>
      %swap3A_343 = arith.constant 96 : index
      %swap3A_344 = tpu.vector_load %arg8[%swap3A_343] {strides = array<i32>} : memref<128xi32, #tpu.memory_space<vmem>>, vector<16xi32>,
      tpu.vector_store %arg8[%swap3A_343], %select_n3A_342 {strides = array<i32>} : memref<128xi32, #tpu.memory_space<vmem>>, vector<16xi32>,
      %mul3A_345 = arith.constant 128 : i32
      %mul3A_346 = arith.muli %while3A_233, %mul3A_345 : i32
      %add3A_347 = arith.constant 112 : i32
      %add3A_348 = arith.addi %mul3A_346, %add3A_347 : i32
      %add3A_349 = vector.broadcast %add3A_348 : i32 to vector<16xi32>
      %add3A_350 = arith.addi %add3A_349, %iota3A : vector<16xi32>
      %lt3A_351 = vector.broadcast %squeeze3A_194 : i32 to vector<16xi32>
      %lt3A_352 = arith.cmpi slt, %add3A_350, %lt3A_351 : vector<16xi32>
      %add3A_353 = vector.broadcast %squeeze3A : i32 to vector<16xi32>
      %add3A_354 = arith.addi %add3A_353, %add3A_350 : vector<16xi32>
      %add3A_355 = arith.constant 4208 : i32
      %add3A_356 = vector.broadcast %add3A_355 : i32 to vector<16xi32>
      %add3A_357 = arith.addi %add3A_356, %iota3A : vector<16xi32>
      %select_n3A_358 = arith.select %lt3A_352, %add3A_354, %add3A_357 : vector<16xi1>, vector<16xi32>
      %swap3A_359 = arith.constant 112 : index
      %swap3A_360 = tpu.vector_load %arg8[%swap3A_359] {strides = array<i32>} : memref<128xi32, #tpu.memory_space<vmem>>, vector<16xi32>,
      tpu.vector_store %arg8[%swap3A_359], %select_n3A_358 {strides = array<i32>} : memref<128xi32, #tpu.memory_space<vmem>>, vector<16xi32>,
      %mul3A_361 = arith.constant 128 : i32
      %mul3A_362 = arith.muli %while3A_233, %mul3A_361 : i32
      %dma_start3A = tpu.memref_slice %arg7[%mul3A_362] : memref<4096xi32, #tpu.memory_space<vmem>> -> memref<128xi32, #tpu.memory_space<vmem>>
      %dma_start3A_363 = arith.constant 0 : i32
      %dma_start3A_364 = arith.constant 0 : i32
      %dma_start3A_365 = tpu.memref_slice %arg3[%dma_start3A_363, %dma_start3A_364] : memref<4096x8xf32, #tpu.memory_space<hbm>> -> memref<4096x8xf32, #tpu.memory_space<hbm>>
      tpu.enqueue_indirect_dma source(%dma_start3A_365 : memref<4096x8xf32, #tpu.memory_space<hbm>>) target(%arg9 : memref<128x8xf32, #tpu.memory_space<vmem>>) offsets(%dma_start3A : memref<128xi32, #tpu.memory_space<vmem>>) semaphore(%arg10 : memref<!tpu.dma_semaphore, #tpu.memory_space<semaphore_mem>>)
      %dma_wait3A = tpu.memref_slice %arg7[%mul3A_362] : memref<4096xi32, #tpu.memory_space<vmem>> -> memref<128xi32, #tpu.memory_space<vmem>>
      %dma_wait3A_366 = arith.constant 0 : i32
      %dma_wait3A_367 = arith.constant 0 : i32
      %dma_wait3A_368 = tpu.memref_slice %arg3[%dma_wait3A_366, %dma_wait3A_367] : memref<4096x8xf32, #tpu.memory_space<hbm>> -> memref<4096x8xf32, #tpu.memory_space<hbm>>
      tpu.wait_indirect_dma semaphore(%arg10 : memref<!tpu.dma_semaphore, #tpu.memory_space<semaphore_mem>>) src(%dma_wait3A_368 : memref<4096x8xf32, #tpu.memory_space<hbm>>) dst(%arg9 : memref<128x8xf32, #tpu.memory_space<vmem>>)
      %dma_start3A_369 = arith.constant 0 : i32
      %dma_start3A_370 = arith.constant 0 : i32
      %dma_start3A_371 = tpu.memref_slice %arg5[%dma_start3A_369, %dma_start3A_370] : memref<4224x8xf32, #tpu.memory_space<hbm>> -> memref<4224x8xf32, #tpu.memory_space<hbm>>
      tpu.enqueue_indirect_dma source(%arg9 : memref<128x8xf32, #tpu.memory_space<vmem>>) target(%dma_start3A_371 : memref<4224x8xf32, #tpu.memory_space<hbm>>) offsets(%arg8 : memref<128xi32, #tpu.memory_space<vmem>>) semaphore(%arg11 : memref<!tpu.dma_semaphore, #tpu.memory_space<semaphore_mem>>)
      %dma_wait3A_372 = arith.constant 0 : i32
      %dma_wait3A_373 = arith.constant 0 : i32
      %dma_wait3A_374 = tpu.memref_slice %arg5[%dma_wait3A_372, %dma_wait3A_373] : memref<4224x8xf32, #tpu.memory_space<hbm>> -> memref<4224x8xf32, #tpu.memory_space<hbm>>
      tpu.wait_indirect_dma semaphore(%arg11 : memref<!tpu.dma_semaphore, #tpu.memory_space<semaphore_mem>>) src(%arg9 : memref<128x8xf32, #tpu.memory_space<vmem>>) dst(%dma_wait3A_374 : memref<4224x8xf32, #tpu.memory_space<hbm>>)
    }
    %while3A_232 = arith.constant 1 : i32
    scf.for %while3A_233 = %while3A_230 to %while3A_226 step %while3A_232  : i32 {
      %mul3A_234 = arith.constant 128 : i32
      %mul3A_235 = arith.muli %while3A_233, %mul3A_234 : i32
      %add3A_236 = arith.constant 0 : i32
      %add3A_237 = arith.addi %mul3A_235, %add3A_236 : i32
      %add3A_238 = vector.broadcast %add3A_237 : i32 to vector<16xi32>
      %add3A_239 = arith.addi %add3A_238, %iota3A : vector<16xi32>
      %lt3A_240 = vector.broadcast %squeeze3A_194 : i32 to vector<16xi32>
      %lt3A_241 = arith.cmpi slt, %add3A_239, %lt3A_240 : vector<16xi32>
      %add3A_242 = vector.broadcast %squeeze3A : i32 to vector<16xi32>
      %add3A_243 = arith.addi %add3A_242, %add3A_239 : vector<16xi32>
      %add3A_244 = arith.constant 4096 : i32
      %add3A_245 = vector.broadcast %add3A_244 : i32 to vector<16xi32>
      %add3A_246 = arith.addi %add3A_245, %iota3A : vector<16xi32>
      %select_n3A_247 = arith.select %lt3A_241, %add3A_243, %add3A_246 : vector<16xi1>, vector<16xi32>
      %swap3A = arith.constant 0 : index
      %swap3A_248 = tpu.vector_load %arg8[%swap3A] {strides = array<i32>} : memref<128xi32, #tpu.memory_space<vmem>>, vector<16xi32>,
      tpu.vector_store %arg8[%swap3A], %select_n3A_247 {strides = array<i32>} : memref<128xi32, #tpu.memory_space<vmem>>, vector<16xi32>,
      %mul3A_249 = arith.constant 128 : i32
      %mul3A_250 = arith.muli %while3A_233, %mul3A_249 : i32
      %add3A_251 = arith.constant 16 : i32
      %add3A_252 = arith.addi %mul3A_250, %add3A_251 : i32
      %add3A_253 = vector.broadcast %add3A_252 : i32 to vector<16xi32>
      %add3A_254 = arith.addi %add3A_253, %iota3A : vector<16xi32>
      %lt3A_255 = vector.broadcast %squeeze3A_194 : i32 to vector<16xi32>
      %lt3A_256 = arith.cmpi slt, %add3A_254, %lt3A_255 : vector<16xi32>
      %add3A_257 = vector.broadcast %squeeze3A : i32 to vector<16xi32>
      %add3A_258 = arith.addi %add3A_257, %add3A_254 : vector<16xi32>
      %add3A_259 = arith.constant 4112 : i32
      %add3A_260 = vector.broadcast %add3A_259 : i32 to vector<16xi32>
      %add3A_261 = arith.addi %add3A_260, %iota3A : vector<16xi32>
      %select_n3A_262 = arith.select %lt3A_256, %add3A_258, %add3A_261 : vector<16xi1>, vector<16xi32>
      %swap3A_263 = arith.constant 16 : index
      %swap3A_264 = tpu.vector_load %arg8[%swap3A_263] {strides = array<i32>} : memref<128xi32, #tpu.memory_space<vmem>>, vector<16xi32>,
      tpu.vector_store %arg8[%swap3A_263], %select_n3A_262 {strides = array<i32>} : memref<128xi32, #tpu.memory_space<vmem>>, vector<16xi32>,
      %mul3A_265 = arith.constant 128 : i32
      %mul3A_266 = arith.muli %while3A_233, %mul3A_265 : i32
      %add3A_267 = arith.constant 32 : i32
      %add3A_268 = arith.addi %mul3A_266, %add3A_267 : i32
      %add3A_269 = vector.broadcast %add3A_268 : i32 to vector<16xi32>
      %add3A_270 = arith.addi %add3A_269, %iota3A : vector<16xi32>
      %lt3A_271 = vector.broadcast %squeeze3A_194 : i32 to vector<16xi32>
      %lt3A_272 = arith.cmpi slt, %add3A_270, %lt3A_271 : vector<16xi32>
      %add3A_273 = vector.broadcast %squeeze3A : i32 to vector<16xi32>
      %add3A_274 = arith.addi %add3A_273, %add3A_270 : vector<16xi32>
      %add3A_275 = arith.constant 4128 : i32
      %add3A_276 = vector.broadcast %add3A_275 : i32 to vector<16xi32>
      %add3A_277 = arith.addi %add3A_276, %iota3A : vector<16xi32>
      %select_n3A_278 = arith.select %lt3A_272, %add3A_274, %add3A_277 : vector<16xi1>, vector<16xi32>
      %swap3A_279 = arith.constant 32 : index
      %swap3A_280 = tpu.vector_load %arg8[%swap3A_279] {strides = array<i32>} : memref<128xi32, #tpu.memory_space<vmem>>, vector<16xi32>,
      tpu.vector_store %arg8[%swap3A_279], %select_n3A_278 {strides = array<i32>} : memref<128xi32, #tpu.memory_space<vmem>>, vector<16xi32>,
      %mul3A_281 = arith.constant 128 : i32
      %mul3A_282 = arith.muli %while3A_233, %mul3A_281 : i32
      %add3A_283 = arith.constant 48 : i32
      %add3A_284 = arith.addi %mul3A_282, %add3A_283 : i32
      %add3A_285 = vector.broadcast %add3A_284 : i32 to vector<16xi32>
      %add3A_286 = arith.addi %add3A_285, %iota3A : vector<16xi32>
      %lt3A_287 = vector.broadcast %squeeze3A_194 : i32 to vector<16xi32>
      %lt3A_288 = arith.cmpi slt, %add3A_286, %lt3A_287 : vector<16xi32>
      %add3A_289 = vector.broadcast %squeeze3A : i32 to vector<16xi32>
      %add3A_290 = arith.addi %add3A_289, %add3A_286 : vector<16xi32>
      %add3A_291 = arith.constant 4144 : i32
      %add3A_292 = vector.broadcast %add3A_291 : i32 to vector<16xi32>
      %add3A_293 = arith.addi %add3A_292, %iota3A : vector<16xi32>
      %select_n3A_294 = arith.select %lt3A_288, %add3A_290, %add3A_293 : vector<16xi1>, vector<16xi32>
      %swap3A_295 = arith.constant 48 : index
      %swap3A_296 = tpu.vector_load %arg8[%swap3A_295] {strides = array<i32>} : memref<128xi32, #tpu.memory_space<vmem>>, vector<16xi32>,
      tpu.vector_store %arg8[%swap3A_295], %select_n3A_294 {strides = array<i32>} : memref<128xi32, #tpu.memory_space<vmem>>, vector<16xi32>,
      %mul3A_297 = arith.constant 128 : i32
      %mul3A_298 = arith.muli %while3A_233, %mul3A_297 : i32
      %add3A_299 = arith.constant 64 : i32
      %add3A_300 = arith.addi %mul3A_298, %add3A_299 : i32
      %add3A_301 = vector.broadcast %add3A_300 : i32 to vector<16xi32>
      %add3A_302 = arith.addi %add3A_301, %iota3A : vector<16xi32>
      %lt3A_303 = vector.broadcast %squeeze3A_194 : i32 to vector<16xi32>
      %lt3A_304 = arith.cmpi slt, %add3A_302, %lt3A_303 : vector<16xi32>
      %add3A_305 = vector.broadcast %squeeze3A : i32 to vector<16xi32>
      %add3A_306 = arith.addi %add3A_305, %add3A_302 : vector<16xi32>
      %add3A_307 = arith.constant 4160 : i32
      %add3A_308 = vector.broadcast %add3A_307 : i32 to vector<16xi32>
      %add3A_309 = arith.addi %add3A_308, %iota3A : vector<16xi32>
      %select_n3A_310 = arith.select %lt3A_304, %add3A_306, %add3A_309 : vector<16xi1>, vector<16xi32>
      %swap3A_311 = arith.constant 64 : index
      %swap3A_312 = tpu.vector_load %arg8[%swap3A_311] {strides = array<i32>} : memref<128xi32, #tpu.memory_space<vmem>>, vector<16xi32>,
      tpu.vector_store %arg8[%swap3A_311], %select_n3A_310 {strides = array<i32>} : memref<128xi32, #tpu.memory_space<vmem>>, vector<16xi32>,
      %mul3A_313 = arith.constant 128 : i32
      %mul3A_314 = arith.muli %while3A_233, %mul3A_313 : i32
      %add3A_315 = arith.constant 80 : i32
      %add3A_316 = arith.addi %mul3A_314, %add3A_315 : i32
      %add3A_317 = vector.broadcast %add3A_316 : i32 to vector<16xi32>
      %add3A_318 = arith.addi %add3A_317, %iota3A : vector<16xi32>
      %lt3A_319 = vector.broadcast %squeeze3A_194 : i32 to vector<16xi32>
      %lt3A_320 = arith.cmpi slt, %add3A_318, %lt3A_319 : vector<16xi32>
      %add3A_321 = vector.broadcast %squeeze3A : i32 to vector<16xi32>
      %add3A_322 = arith.addi %add3A_321, %add3A_318 : vector<16xi32>
      %add3A_323 = arith.constant 4176 : i32
      %add3A_324 = vector.broadcast %add3A_323 : i32 to vector<16xi32>
      %add3A_325 = arith.addi %add3A_324, %iota3A : vector<16xi32>
      %select_n3A_326 = arith.select %lt3A_320, %add3A_322, %add3A_325 : vector<16xi1>, vector<16xi32>
      %swap3A_327 = arith.constant 80 : index
      %swap3A_328 = tpu.vector_load %arg8[%swap3A_327] {strides = array<i32>} : memref<128xi32, #tpu.memory_space<vmem>>, vector<16xi32>,
      tpu.vector_store %arg8[%swap3A_327], %select_n3A_326 {strides = array<i32>} : memref<128xi32, #tpu.memory_space<vmem>>, vector<16xi32>,
      %mul3A_329 = arith.constant 128 : i32
      %mul3A_330 = arith.muli %while3A_233, %mul3A_329 : i32
      %add3A_331 = arith.constant 96 : i32
      %add3A_332 = arith.addi %mul3A_330, %add3A_331 : i32
      %add3A_333 = vector.broadcast %add3A_332 : i32 to vector<16xi32>
      %add3A_334 = arith.addi %add3A_333, %iota3A : vector<16xi32>
      %lt3A_335 = vector.broadcast %squeeze3A_194 : i32 to vector<16xi32>
      %lt3A_336 = arith.cmpi slt, %add3A_334, %lt3A_335 : vector<16xi32>
      %add3A_337 = vector.broadcast %squeeze3A : i32 to vector<16xi32>
      %add3A_338 = arith.addi %add3A_337, %add3A_334 : vector<16xi32>
      %add3A_339 = arith.constant 4192 : i32
      %add3A_340 = vector.broadcast %add3A_339 : i32 to vector<16xi32>
      %add3A_341 = arith.addi %add3A_340, %iota3A : vector<16xi32>
      %select_n3A_342 = arith.select %lt3A_336, %add3A_338, %add3A_341 : vector<16xi1>, vector<16xi32>
      %swap3A_343 = arith.constant 96 : index
      %swap3A_344 = tpu.vector_load %arg8[%swap3A_343] {strides = array<i32>} : memref<128xi32, #tpu.memory_space<vmem>>, vector<16xi32>,
      tpu.vector_store %arg8[%swap3A_343], %select_n3A_342 {strides = array<i32>} : memref<128xi32, #tpu.memory_space<vmem>>, vector<16xi32>,
      %mul3A_345 = arith.constant 128 : i32
      %mul3A_346 = arith.muli %while3A_233, %mul3A_345 : i32
      %add3A_347 = arith.constant 112 : i32
      %add3A_348 = arith.addi %mul3A_346, %add3A_347 : i32
      %add3A_349 = vector.broadcast %add3A_348 : i32 to vector<16xi32>
      %add3A_350 = arith.addi %add3A_349, %iota3A : vector<16xi32>
      %lt3A_351 = vector.broadcast %squeeze3A_194 : i32 to vector<16xi32>
      %lt3A_352 = arith.cmpi slt, %add3A_350, %lt3A_351 : vector<16xi32>
      %add3A_353 = vector.broadcast %squeeze3A : i32 to vector<16xi32>
      %add3A_354 = arith.addi %add3A_353, %add3A_350 : vector<16xi32>
      %add3A_355 = arith.constant 4208 : i32
      %add3A_356 = vector.broadcast %add3A_355 : i32 to vector<16xi32>
      %add3A_357 = arith.addi %add3A_356, %iota3A : vector<16xi32>
      %select_n3A_358 = arith.select %lt3A_352, %add3A_354, %add3A_357 : vector<16xi1>, vector<16xi32>
      %swap3A_359 = arith.constant 112 : index
      %swap3A_360 = tpu.vector_load %arg8[%swap3A_359] {strides = array<i32>} : memref<128xi32, #tpu.memory_space<vmem>>, vector<16xi32>,
      tpu.vector_store %arg8[%swap3A_359], %select_n3A_358 {strides = array<i32>} : memref<128xi32, #tpu.memory_space<vmem>>, vector<16xi32>,
      %mul3A_361 = arith.constant 128 : i32
      %mul3A_362 = arith.muli %while3A_233, %mul3A_361 : i32
      %dma_start3A = tpu.memref_slice %arg7[%mul3A_362] : memref<4096xi32, #tpu.memory_space<vmem>> -> memref<128xi32, #tpu.memory_space<vmem>>
      %dma_start3A_363 = arith.constant 0 : i32
      %dma_start3A_364 = arith.constant 0 : i32
      %dma_start3A_365 = tpu.memref_slice %arg3[%dma_start3A_363, %dma_start3A_364] : memref<4096x8xf32, #tpu.memory_space<hbm>> -> memref<4096x8xf32, #tpu.memory_space<hbm>>
      tpu.enqueue_indirect_dma source(%dma_start3A_365 : memref<4096x8xf32, #tpu.memory_space<hbm>>) target(%arg9 : memref<128x8xf32, #tpu.memory_space<vmem>>) offsets(%dma_start3A : memref<128xi32, #tpu.memory_space<vmem>>) semaphore(%arg10 : memref<!tpu.dma_semaphore, #tpu.memory_space<semaphore_mem>>)
      %dma_wait3A = tpu.memref_slice %arg7[%mul3A_362] : memref<4096xi32, #tpu.memory_space<vmem>> -> memref<128xi32, #tpu.memory_space<vmem>>
      %dma_wait3A_366 = arith.constant 0 : i32
      %dma_wait3A_367 = arith.constant 0 : i32
      %dma_wait3A_368 = tpu.memref_slice %arg3[%dma_wait3A_366, %dma_wait3A_367] : memref<4096x8xf32, #tpu.memory_space<hbm>> -> memref<4096x8xf32, #tpu.memory_space<hbm>>
      tpu.wait_indirect_dma semaphore(%arg10 : memref<!tpu.dma_semaphore, #tpu.memory_space<semaphore_mem>>) src(%dma_wait3A_368 : memref<4096x8xf32, #tpu.memory_space<hbm>>) dst(%arg9 : memref<128x8xf32, #tpu.memory_space<vmem>>)
      %dma_start3A_369 = arith.constant 0 : i32
      %dma_start3A_370 = arith.constant 0 : i32
      %dma_start3A_371 = tpu.memref_slice %arg5[%dma_start3A_369, %dma_start3A_370] : memref<4224x8xf32, #tpu.memory_space<hbm>> -> memref<4224x8xf32, #tpu.memory_space<hbm>>
      tpu.enqueue_indirect_dma source(%arg9 : memref<128x8xf32, #tpu.memory_space<vmem>>) target(%dma_start3A_371 : memref<4224x8xf32, #tpu.memory_space<hbm>>) offsets(%arg8 : memref<128xi32, #tpu.memory_space<vmem>>) semaphore(%arg11 : memref<!tpu.dma_semaphore, #tpu.memory_space<semaphore_mem>>)
      %dma_wait3A_372 = arith.constant 0 : i32
      %dma_wait3A_373 = arith.constant 0 : i32
      %dma_wait3A_374 = tpu.memref_slice %arg5[%dma_wait3A_372, %dma_wait3A_373] : memref<4224x8xf32, #tpu.memory_space<hbm>> -> memref<4224x8xf32, #tpu.memory_space<hbm>>
      tpu.wait_indirect_dma semaphore(%arg11 : memref<!tpu.dma_semaphore, #tpu.memory_space<semaphore_mem>>) src(%arg9 : memref<128x8xf32, #tpu.memory_space<vmem>>) dst(%dma_wait3A_374 : memref<4224x8xf32, #tpu.memory_space<hbm>>)
    }
    return
  }
}

module attributes {stable_mosaic.version = 14 : i64} {
  func.func @_project_kernel(%arg0: memref<9x4096xf32, #tpu.memory_space<vmem>>, %arg1: memref<4096xf32, #tpu.memory_space<vmem>>, %arg2: memref<4096x8xf32, #tpu.memory_space<vmem>>, %arg3: memref<2x32xi32, #tpu.memory_space<vmem>>) attributes {dimension_semantics = [], scalar_prefetch = 0 : i64, scratch_operands = 0 : i64, tpu.core_type = #tpu.core_type<tc>} {
    %get3A = arith.constant 0 : index
    %get3A_0 = arith.constant 0 : index
    %get3A_1 = vector.load %arg0[%get3A, %get3A_0] : memref<9x4096xf32, #tpu.memory_space<vmem>>, vector<1x4096xf32>
    %tanh3A = math.tanh %get3A_1 : vector<1x4096xf32>
    %get3A_2 = arith.constant 1 : index
    %get3A_3 = arith.constant 0 : index
    %get3A_4 = vector.load %arg0[%get3A_2, %get3A_3] : memref<9x4096xf32, #tpu.memory_space<vmem>>, vector<1x4096xf32>
    %tanh3A_5 = math.tanh %get3A_4 : vector<1x4096xf32>
    %get3A_6 = arith.constant 2 : index
    %get3A_7 = arith.constant 0 : index
    %get3A_8 = vector.load %arg0[%get3A_6, %get3A_7] : memref<9x4096xf32, #tpu.memory_space<vmem>>, vector<1x4096xf32>
    %abs3A = math.absf %get3A_8 : vector<1x4096xf32>
    %add3A = arith.constant 3.000000e-01 : f32
    %add3A_9 = vector.broadcast %add3A : f32 to vector<1x4096xf32>
    %add3A_10 = arith.addf %abs3A, %add3A_9 : vector<1x4096xf32>
    %get3A_11 = arith.constant 3 : index
    %get3A_12 = arith.constant 0 : index
    %get3A_13 = vector.load %arg0[%get3A_11, %get3A_12] : memref<9x4096xf32, #tpu.memory_space<vmem>>, vector<1x4096xf32>
    %abs3A_14 = math.absf %get3A_13 : vector<1x4096xf32>
    %add3A_15 = arith.constant 3.000000e-01 : f32
    %add3A_16 = vector.broadcast %add3A_15 : f32 to vector<1x4096xf32>
    %add3A_17 = arith.addf %abs3A_14, %add3A_16 : vector<1x4096xf32>
    %get3A_18 = arith.constant 4 : index
    %get3A_19 = arith.constant 0 : index
    %get3A_20 = vector.load %arg0[%get3A_18, %get3A_19] : memref<9x4096xf32, #tpu.memory_space<vmem>>, vector<1x4096xf32>
    %logistic3A = arith.negf %get3A_20 : vector<1x4096xf32>
    %logistic3A_21 = math.exp %logistic3A : vector<1x4096xf32>
    %logistic3A_22 = arith.constant 1.000000e+00 : f32
    %logistic3A_23 = vector.broadcast %logistic3A_22 : f32 to vector<1x4096xf32>
    %logistic3A_24 = arith.addf %logistic3A_23, %logistic3A_21 : vector<1x4096xf32>
    %logistic3A_25 = arith.divf %logistic3A_23, %logistic3A_24 : vector<1x4096xf32>
    %mul3A = arith.constant 6.28318548 : f32
    %mul3A_26 = vector.broadcast %mul3A : f32 to vector<1x4096xf32>
    %mul3A_27 = arith.mulf %logistic3A_25, %mul3A_26 : vector<1x4096xf32>
    %cos3A = math.cos %mul3A_27 : vector<1x4096xf32>
    %sin3A = math.sin %mul3A_27 : vector<1x4096xf32>
    %mul3A_28 = arith.mulf %cos3A, %cos3A : vector<1x4096xf32>
    %mul3A_29 = arith.mulf %mul3A_28, %add3A_10 : vector<1x4096xf32>
    %mul3A_30 = arith.mulf %mul3A_29, %add3A_10 : vector<1x4096xf32>
    %mul3A_31 = arith.mulf %sin3A, %sin3A : vector<1x4096xf32>
    %mul3A_32 = arith.mulf %mul3A_31, %add3A_17 : vector<1x4096xf32>
    %mul3A_33 = arith.mulf %mul3A_32, %add3A_17 : vector<1x4096xf32>
    %add3A_34 = arith.addf %mul3A_30, %mul3A_33 : vector<1x4096xf32>
    %mul3A_35 = arith.mulf %cos3A, %sin3A : vector<1x4096xf32>
    %mul3A_36 = arith.mulf %add3A_10, %add3A_10 : vector<1x4096xf32>
    %mul3A_37 = arith.mulf %add3A_17, %add3A_17 : vector<1x4096xf32>
    %sub3A = arith.subf %mul3A_36, %mul3A_37 : vector<1x4096xf32>
    %mul3A_38 = arith.mulf %mul3A_35, %sub3A : vector<1x4096xf32>
    %mul3A_39 = arith.mulf %sin3A, %sin3A : vector<1x4096xf32>
    %mul3A_40 = arith.mulf %mul3A_39, %add3A_10 : vector<1x4096xf32>
    %mul3A_41 = arith.mulf %mul3A_40, %add3A_10 : vector<1x4096xf32>
    %mul3A_42 = arith.mulf %cos3A, %cos3A : vector<1x4096xf32>
    %mul3A_43 = arith.mulf %mul3A_42, %add3A_17 : vector<1x4096xf32>
    %mul3A_44 = arith.mulf %mul3A_43, %add3A_17 : vector<1x4096xf32>
    %add3A_45 = arith.addf %mul3A_41, %mul3A_44 : vector<1x4096xf32>
    %mul3A_46 = arith.mulf %add3A_34, %add3A_45 : vector<1x4096xf32>
    %mul3A_47 = arith.mulf %mul3A_38, %mul3A_38 : vector<1x4096xf32>
    %sub3A_48 = arith.subf %mul3A_46, %mul3A_47 : vector<1x4096xf32>
    %div3A = arith.constant 1.000000e+00 : f32
    %div3A_49 = vector.broadcast %div3A : f32 to vector<1x4096xf32>
    %div3A_50 = arith.divf %div3A_49, %sub3A_48 : vector<1x4096xf32>
    %add3A_51 = arith.constant 1.000000e+00 : f32
    %add3A_52 = vector.broadcast %add3A_51 : f32 to vector<1x4096xf32>
    %add3A_53 = arith.addf %tanh3A, %add3A_52 : vector<1x4096xf32>
    %mul3A_54 = arith.constant 1.280000e+02 : f32
    %mul3A_55 = vector.broadcast %mul3A_54 : f32 to vector<1x4096xf32>
    %mul3A_56 = arith.mulf %mul3A_55, %add3A_53 : vector<1x4096xf32>
    %sub3A_57 = arith.constant 5.000000e-01 : f32
    %sub3A_58 = vector.broadcast %sub3A_57 : f32 to vector<1x4096xf32>
    %sub3A_59 = arith.subf %mul3A_56, %sub3A_58 : vector<1x4096xf32>
    %add3A_60 = arith.constant 1.000000e+00 : f32
    %add3A_61 = vector.broadcast %add3A_60 : f32 to vector<1x4096xf32>
    %add3A_62 = arith.addf %tanh3A_5, %add3A_61 : vector<1x4096xf32>
    %mul3A_63 = arith.constant 1.280000e+02 : f32
    %mul3A_64 = vector.broadcast %mul3A_63 : f32 to vector<1x4096xf32>
    %mul3A_65 = arith.mulf %mul3A_64, %add3A_62 : vector<1x4096xf32>
    %sub3A_66 = arith.constant 5.000000e-01 : f32
    %sub3A_67 = vector.broadcast %sub3A_66 : f32 to vector<1x4096xf32>
    %sub3A_68 = arith.subf %mul3A_65, %sub3A_67 : vector<1x4096xf32>
    %get3A_69 = arith.constant 8 : index
    %get3A_70 = arith.constant 0 : index
    %get3A_71 = vector.load %arg0[%get3A_69, %get3A_70] : memref<9x4096xf32, #tpu.memory_space<vmem>>, vector<1x4096xf32>
    %reshape3A = vector.shape_cast %sub3A_68 : vector<1x4096xf32> to vector<4096xf32>
    %swap3A = arith.constant 0 : index
    %swap3A_72 = vector.load %arg1[%swap3A] : memref<4096xf32, #tpu.memory_space<vmem>>, vector<4096xf32>
    tpu.vector_store %arg1[%swap3A], %reshape3A {strides = array<i32>} : memref<4096xf32, #tpu.memory_space<vmem>>, vector<4096xf32>,
    %mul3A_73 = arith.constant -5.000000e-01 : f32
    %mul3A_74 = vector.broadcast %mul3A_73 : f32 to vector<1x4096xf32>
    %mul3A_75 = arith.mulf %mul3A_74, %add3A_45 : vector<1x4096xf32>
    %mul3A_76 = arith.mulf %mul3A_75, %div3A_50 : vector<1x4096xf32>
    %mul3A_77 = arith.mulf %mul3A_38, %div3A_50 : vector<1x4096xf32>
    %mul3A_78 = arith.constant -5.000000e-01 : f32
    %mul3A_79 = vector.broadcast %mul3A_78 : f32 to vector<1x4096xf32>
    %mul3A_80 = arith.mulf %mul3A_79, %add3A_34 : vector<1x4096xf32>
    %mul3A_81 = arith.mulf %mul3A_80, %div3A_50 : vector<1x4096xf32>
    %get3A_82 = arith.constant 5 : index
    %get3A_83 = arith.constant 0 : index
    %get3A_84 = vector.load %arg0[%get3A_82, %get3A_83] : memref<9x4096xf32, #tpu.memory_space<vmem>>, vector<1x4096xf32>
    %mul3A_85 = arith.mulf %get3A_84, %get3A_71 : vector<1x4096xf32>
    %get3A_86 = arith.constant 6 : index
    %get3A_87 = arith.constant 0 : index
    %get3A_88 = vector.load %arg0[%get3A_86, %get3A_87] : memref<9x4096xf32, #tpu.memory_space<vmem>>, vector<1x4096xf32>
    %mul3A_89 = arith.mulf %get3A_88, %get3A_71 : vector<1x4096xf32>
    %get3A_90 = arith.constant 7 : index
    %get3A_91 = arith.constant 0 : index
    %get3A_92 = vector.load %arg0[%get3A_90, %get3A_91] : memref<9x4096xf32, #tpu.memory_space<vmem>>, vector<1x4096xf32>
    %mul3A_93 = arith.mulf %get3A_92, %get3A_71 : vector<1x4096xf32>
    %concatenate3A = tpu.concatenate %sub3A_59, %sub3A_68, %mul3A_76, %mul3A_77, %mul3A_81, %mul3A_85, %mul3A_89, %mul3A_93 in 0 : vector<1x4096xf32>, vector<1x4096xf32>, vector<1x4096xf32>, vector<1x4096xf32>, vector<1x4096xf32>, vector<1x4096xf32>, vector<1x4096xf32>, vector<1x4096xf32> -> vector<8x4096xf32>
    %transpose3A = tpu.transpose %concatenate3A, [1, 0] : vector<8x4096xf32> -> vector<4096x8xf32>
    %swap3A_94 = arith.constant 0 : index
    %swap3A_95 = arith.constant 0 : index
    %swap3A_96 = vector.load %arg2[%swap3A_94, %swap3A_95] : memref<4096x8xf32, #tpu.memory_space<vmem>>, vector<4096x8xf32>
    tpu.vector_store %arg2[%swap3A_94, %swap3A_95], %transpose3A {strides = array<i32>} : memref<4096x8xf32, #tpu.memory_space<vmem>>, vector<4096x8xf32>,
    %iota3A = tpu.iota {dimensions = array<i32: 0>} : vector<32x1xi32>
    %sub3A_97 = arith.constant 2 : i32
    %sub3A_98 = vector.broadcast %sub3A_97 : i32 to vector<32x1xi32>
    %sub3A_99 = arith.subi %iota3A, %sub3A_98 : vector<32x1xi32>
    %mul3A_100 = arith.constant 8 : i32
    %mul3A_101 = vector.broadcast %mul3A_100 : i32 to vector<32x1xi32>
    %mul3A_102 = arith.muli %sub3A_99, %mul3A_101 : vector<32x1xi32>
    %convert_element_type3A = arith.sitofp %mul3A_102 : vector<32x1xi32> to vector<32x1xf32>
    %add3A_103 = arith.constant 2 : i32
    %add3A_104 = vector.broadcast %add3A_103 : i32 to vector<32x1xi32>
    %add3A_105 = arith.addi %iota3A, %add3A_104 : vector<32x1xi32>
    %mul3A_106 = arith.constant 8 : i32
    %mul3A_107 = vector.broadcast %mul3A_106 : i32 to vector<32x1xi32>
    %mul3A_108 = arith.muli %add3A_105, %mul3A_107 : vector<32x1xi32>
    %convert_element_type3A_109 = arith.sitofp %mul3A_108 : vector<32x1xi32> to vector<32x1xf32>
    %lt3A = vector.broadcast %sub3A_68 : vector<1x4096xf32> to vector<32x4096xf32>
    %lt3A_110 = vector.broadcast %convert_element_type3A : vector<32x1xf32> to vector<32x4096xf32>
    %lt3A_111 = arith.cmpf olt, %lt3A, %lt3A_110 : vector<32x4096xf32>
    %convert_element_type3A_112 = arith.extui %lt3A_111 : vector<32x4096xi1> to vector<32x4096xi32>
    %reduce_sum3A = arith.constant dense<0> : vector<32xi32>
    %reduce_sum3A_113 = vector.multi_reduction <add>, %convert_element_type3A_112, %reduce_sum3A [1] : vector<32x4096xi32> to vector<32xi32>
    %lt3A_114 = vector.broadcast %sub3A_68 : vector<1x4096xf32> to vector<32x4096xf32>
    %lt3A_115 = vector.broadcast %convert_element_type3A_109 : vector<32x1xf32> to vector<32x4096xf32>
    %lt3A_116 = arith.cmpf olt, %lt3A_114, %lt3A_115 : vector<32x4096xf32>
    %convert_element_type3A_117 = arith.extui %lt3A_116 : vector<32x4096xi1> to vector<32x4096xi32>
    %reduce_sum3A_118 = arith.constant dense<0> : vector<32xi32>
    %reduce_sum3A_119 = vector.multi_reduction <add>, %convert_element_type3A_117, %reduce_sum3A_118 [1] : vector<32x4096xi32> to vector<32xi32>
    %reshape3A_120 = vector.shape_cast %iota3A : vector<32x1xi32> to vector<32xi32>
    %ge3A = arith.constant 3 : i32
    %ge3A_121 = vector.broadcast %ge3A : i32 to vector<32xi32>
    %ge3A_122 = arith.cmpi sge, %reshape3A_120, %ge3A_121 : vector<32xi32>
    %jit3A = arith.constant 0 : i32
    %broadcast_in_dim3A = vector.broadcast %jit3A : i32 to vector<32xi32>
    %select_n3A = arith.select %ge3A_122, %reduce_sum3A_113, %broadcast_in_dim3A : vector<32xi1>, vector<32xi32>
    %ge3A_123 = arith.constant 30 : i32
    %ge3A_124 = vector.broadcast %ge3A_123 : i32 to vector<32xi32>
    %ge3A_125 = arith.cmpi sge, %reshape3A_120, %ge3A_124 : vector<32xi32>
    %jit3A_126 = arith.constant 4096 : i32
    %broadcast_in_dim3A_127 = vector.broadcast %jit3A_126 : i32 to vector<32xi32>
    %select_n3A_128 = arith.select %ge3A_125, %broadcast_in_dim3A_127, %reduce_sum3A_119 : vector<32xi1>, vector<32xi32>
    %reshape3A_129 = vector.shape_cast %select_n3A : vector<32xi32> to vector<1x32xi32>
    %swap3A_130 = arith.constant 0 : index
    %swap3A_131 = arith.constant 0 : index
    %swap3A_132 = vector.load %arg3[%swap3A_130, %swap3A_131] : memref<2x32xi32, #tpu.memory_space<vmem>>, vector<1x32xi32>
    tpu.vector_store %arg3[%swap3A_130, %swap3A_131], %reshape3A_129 {strides = array<i32>} : memref<2x32xi32, #tpu.memory_space<vmem>>, vector<1x32xi32>,
    %reshape3A_133 = vector.shape_cast %select_n3A_128 : vector<32xi32> to vector<1x32xi32>
    %swap3A_134 = arith.constant 1 : index
    %swap3A_135 = arith.constant 0 : index
    %swap3A_136 = vector.load %arg3[%swap3A_134, %swap3A_135] : memref<2x32xi32, #tpu.memory_space<vmem>>, vector<1x32xi32>
    tpu.vector_store %arg3[%swap3A_134, %swap3A_135], %reshape3A_133 {strides = array<i32>} : memref<2x32xi32, #tpu.memory_space<vmem>>, vector<1x32xi32>,
    return
  }
}

module attributes {stable_mosaic.version = 14 : i64} {
  func.func @_raster_kernel(%arg0: i32, %arg1: memref<2x32xi32, #tpu.memory_space<smem>>, %arg2: memref<66x64x8xf32, #tpu.memory_space<vmem>>, %arg3: memref<3x8x256xf32, #tpu.memory_space<vmem>>) attributes {dimension_semantics = [#tpu.dimension_semantics<arbitrary>], iteration_bounds = array<i64: 32>, scalar_prefetch = 1 : i64, scratch_operands = 0 : i64, tpu.core_type = #tpu.core_type<tc>, window_params = [{pipeline_mode = #tpu.pipeline_mode<synchronous>, transform_indices = @transform_0, window_bounds = array<i64: 66, 64, 8>}, {transform_indices = @transform_1, window_bounds = array<i64: 3, 8, 256>}]} {
    %get3A = arith.constant 0 : index
    %get3A_0 = arith.index_cast %arg0 : i32 to index
    %get3A_1 = memref.load %arg1[%get3A, %get3A_0] : memref<2x32xi32, #tpu.memory_space<smem>>
    %get3A_2 = arith.constant 1 : index
    %get3A_3 = arith.index_cast %arg0 : i32 to index
    %get3A_4 = memref.load %arg1[%get3A_2, %get3A_3] : memref<2x32xi32, #tpu.memory_space<smem>>
    %jit3A = arith.constant 64 : i32
    %div3A = arith.divsi %get3A_1, %jit3A : i32
    %sign3A = arith.constant 0 : i32
    %sign3A_5 = arith.cmpi sgt, %get3A_1, %sign3A : i32
    %sign3A_6 = arith.extui %sign3A_5 : i1 to i32
    %sign3A_7 = arith.constant 0 : i32
    %sign3A_8 = arith.cmpi slt, %get3A_1, %sign3A_7 : i32
    %sign3A_9 = arith.extui %sign3A_8 : i1 to i32
    %sign3A_10 = arith.subi %sign3A_6, %sign3A_9 : i32
    %sign3A_11 = arith.constant 0 : i32
    %sign3A_12 = arith.cmpi sgt, %jit3A, %sign3A_11 : i32
    %sign3A_13 = arith.extui %sign3A_12 : i1 to i32
    %sign3A_14 = arith.constant 0 : i32
    %sign3A_15 = arith.cmpi slt, %jit3A, %sign3A_14 : i32
    %sign3A_16 = arith.extui %sign3A_15 : i1 to i32
    %sign3A_17 = arith.subi %sign3A_13, %sign3A_16 : i32
    %ne3A = arith.cmpi ne, %sign3A_10, %sign3A_17 : i32
    %rem3A = arith.remsi %get3A_1, %jit3A : i32
    %ne3A_18 = arith.constant 0 : i32
    %ne3A_19 = arith.cmpi ne, %rem3A, %ne3A_18 : i32
    %and3A = arith.andi %ne3A, %ne3A_19 : i1
    %sub3A = arith.constant 1 : i32
    %sub3A_20 = arith.subi %div3A, %sub3A : i32
    %select_n3A = arith.select %and3A, %sub3A_20, %div3A : i32
    %add3A = arith.constant 64 : i32
    %add3A_21 = arith.addi %get3A_4, %add3A : i32
    %sub3A_22 = arith.constant 1 : i32
    %sub3A_23 = arith.subi %add3A_21, %sub3A_22 : i32
    %jit3A_24 = arith.constant 64 : i32
    %div3A_25 = arith.divsi %sub3A_23, %jit3A_24 : i32
    %sign3A_26 = arith.constant 0 : i32
    %sign3A_27 = arith.cmpi sgt, %sub3A_23, %sign3A_26 : i32
    %sign3A_28 = arith.extui %sign3A_27 : i1 to i32
    %sign3A_29 = arith.constant 0 : i32
    %sign3A_30 = arith.cmpi slt, %sub3A_23, %sign3A_29 : i32
    %sign3A_31 = arith.extui %sign3A_30 : i1 to i32
    %sign3A_32 = arith.subi %sign3A_28, %sign3A_31 : i32
    %sign3A_33 = arith.constant 0 : i32
    %sign3A_34 = arith.cmpi sgt, %jit3A_24, %sign3A_33 : i32
    %sign3A_35 = arith.extui %sign3A_34 : i1 to i32
    %sign3A_36 = arith.constant 0 : i32
    %sign3A_37 = arith.cmpi slt, %jit3A_24, %sign3A_36 : i32
    %sign3A_38 = arith.extui %sign3A_37 : i1 to i32
    %sign3A_39 = arith.subi %sign3A_35, %sign3A_38 : i32
    %ne3A_40 = arith.cmpi ne, %sign3A_32, %sign3A_39 : i32
    %rem3A_41 = arith.remsi %sub3A_23, %jit3A_24 : i32
    %ne3A_42 = arith.constant 0 : i32
    %ne3A_43 = arith.cmpi ne, %rem3A_41, %ne3A_42 : i32
    %and3A_44 = arith.andi %ne3A_40, %ne3A_43 : i1
    %sub3A_45 = arith.constant 1 : i32
    %sub3A_46 = arith.subi %div3A_25, %sub3A_45 : i32
    %select_n3A_47 = arith.select %and3A_44, %sub3A_46, %div3A_25 : i32
    %iota3A = tpu.iota {dimensions = array<i32: 1>} : vector<64x2048xi32>
    %and3A_48 = arith.constant 255 : i32
    %and3A_49 = vector.broadcast %and3A_48 : i32 to vector<64x2048xi32>
    %and3A_50 = arith.andi %iota3A, %and3A_49 : vector<64x2048xi32>
    %convert_element_type3A = arith.sitofp %and3A_50 : vector<64x2048xi32> to vector<64x2048xf32>
    %shift_right_arithmetic3A = arith.constant 8 : i32
    %shift_right_arithmetic3A_51 = vector.broadcast %shift_right_arithmetic3A : i32 to vector<64x2048xi32>
    %shift_right_arithmetic3A_52 = arith.shrsi %iota3A, %shift_right_arithmetic3A_51 : vector<64x2048xi32>
    %convert_element_type3A_53 = arith.sitofp %shift_right_arithmetic3A_52 : vector<64x2048xi32> to vector<64x2048xf32>
    %mul3A = arith.constant 8 : i32
    %mul3A_54 = arith.muli %arg0, %mul3A : i32
    %convert_element_type3A_55 = arith.sitofp %mul3A_54 : i32 to f32
    %add3A_56 = vector.broadcast %convert_element_type3A_55 : f32 to vector<64x2048xf32>
    %add3A_57 = arith.addf %convert_element_type3A_53, %add3A_56 : vector<64x2048xf32>
    %sub3A_58 = arith.subi %select_n3A_47, %select_n3A : i32
    %add3A_59 = arith.constant 1 : i32
    %add3A_60 = arith.addi %sub3A_58, %add3A_59 : i32
    %jit3A_61 = arith.constant 2 : i32
    %div3A_62 = arith.divsi %add3A_60, %jit3A_61 : i32
    %sign3A_63 = arith.constant 0 : i32
    %sign3A_64 = arith.cmpi sgt, %add3A_60, %sign3A_63 : i32
    %sign3A_65 = arith.extui %sign3A_64 : i1 to i32
    %sign3A_66 = arith.constant 0 : i32
    %sign3A_67 = arith.cmpi slt, %add3A_60, %sign3A_66 : i32
    %sign3A_68 = arith.extui %sign3A_67 : i1 to i32
    %sign3A_69 = arith.subi %sign3A_65, %sign3A_68 : i32
    %sign3A_70 = arith.constant 0 : i32
    %sign3A_71 = arith.cmpi sgt, %jit3A_61, %sign3A_70 : i32
    %sign3A_72 = arith.extui %sign3A_71 : i1 to i32
    %sign3A_73 = arith.constant 0 : i32
    %sign3A_74 = arith.cmpi slt, %jit3A_61, %sign3A_73 : i32
    %sign3A_75 = arith.extui %sign3A_74 : i1 to i32
    %sign3A_76 = arith.subi %sign3A_72, %sign3A_75 : i32
    %ne3A_77 = arith.cmpi ne, %sign3A_69, %sign3A_76 : i32
    %rem3A_78 = arith.remsi %add3A_60, %jit3A_61 : i32
    %ne3A_79 = arith.constant 0 : i32
    %ne3A_80 = arith.cmpi ne, %rem3A_78, %ne3A_79 : i32
    %and3A_81 = arith.andi %ne3A_77, %ne3A_80 : i1
    %sub3A_82 = arith.constant 1 : i32
    %sub3A_83 = arith.subi %div3A_62, %sub3A_82 : i32
    %select_n3A_84 = arith.select %and3A_81, %sub3A_83, %div3A_62 : i32
    %broadcast_in_dim3A = arith.constant 0.000000e+00 : f32
    %broadcast_in_dim3A_85 = vector.broadcast %broadcast_in_dim3A : f32 to vector<3x2048xf32>
    %while3A = arith.constant 0 : i32
    %while3A_86 = arith.subi %select_n3A_84, %while3A : i32
    %while3A_87 = arith.addi %while3A, %while3A_86 : i32
    %while3A_88 = arith.constant 1 : i32
    %while3A_89 = arith.divsi %while3A_86, %while3A_88 : i32
    %while3A_90 = arith.muli %while3A_89, %while3A_88 : i32
    %while3A_91 = arith.addi %while3A, %while3A_90 : i32
    %while3A_92 = arith.constant 1 : i32
    %while3A_93 = scf.for %while3A_99 = %while3A to %while3A_91 step %while3A_92 iter_args(%while3A_100 = %broadcast_in_dim3A_85) -> (vector<3x2048xf32>)  : i32 {
      %mul3A_101 = arith.constant 2 : i32
      %mul3A_102 = arith.muli %mul3A_101, %while3A_99 : i32
      %add3A_103 = arith.addi %select_n3A, %mul3A_102 : i32
      %add3A_104 = arith.constant 1 : i32
      %add3A_105 = arith.addi %add3A_103, %add3A_104 : i32
      %min3A = arith.constant 65 : i32
      %min3A_106 = arith.minsi %add3A_103, %min3A : i32
      %get3A_107 = arith.index_cast %min3A_106 : i32 to index
      %get3A_108 = arith.constant 0 : index
      %get3A_109 = arith.constant 0 : index
      %get3A_110 = vector.load %arg2[%get3A_107, %get3A_108, %get3A_109] : memref<66x64x8xf32, #tpu.memory_space<vmem>>, vector<1x64x8xf32>
      %get3A_111 = vector.shape_cast %get3A_110 : vector<1x64x8xf32> to vector<64x8xf32>
      %slice3A = vector.extract_strided_slice %get3A_111 {offsets = [0, 0], sizes = [64, 1], strides = [1, 1]} : vector<64x8xf32> to vector<64x1xf32>
      %slice3A_112 = vector.extract_strided_slice %get3A_111 {offsets = [0, 1], sizes = [64, 1], strides = [1, 1]} : vector<64x8xf32> to vector<64x1xf32>
      %slice3A_113 = vector.extract_strided_slice %get3A_111 {offsets = [0, 2], sizes = [64, 1], strides = [1, 1]} : vector<64x8xf32> to vector<64x1xf32>
      %slice3A_114 = vector.extract_strided_slice %get3A_111 {offsets = [0, 3], sizes = [64, 1], strides = [1, 1]} : vector<64x8xf32> to vector<64x1xf32>
      %slice3A_115 = vector.extract_strided_slice %get3A_111 {offsets = [0, 4], sizes = [64, 1], strides = [1, 1]} : vector<64x8xf32> to vector<64x1xf32>
      %sub3A_116 = vector.broadcast %slice3A : vector<64x1xf32> to vector<64x2048xf32>
      %sub3A_117 = arith.subf %convert_element_type3A, %sub3A_116 : vector<64x2048xf32>
      %sub3A_118 = vector.broadcast %slice3A_112 : vector<64x1xf32> to vector<64x2048xf32>
      %sub3A_119 = arith.subf %add3A_57, %sub3A_118 : vector<64x2048xf32>
      %mul3A_120 = vector.broadcast %slice3A_113 : vector<64x1xf32> to vector<64x2048xf32>
      %mul3A_121 = arith.mulf %mul3A_120, %sub3A_117 : vector<64x2048xf32>
      %mul3A_122 = arith.mulf %mul3A_121, %sub3A_117 : vector<64x2048xf32>
      %mul3A_123 = vector.broadcast %slice3A_114 : vector<64x1xf32> to vector<64x2048xf32>
      %mul3A_124 = arith.mulf %mul3A_123, %sub3A_117 : vector<64x2048xf32>
      %mul3A_125 = vector.broadcast %slice3A_115 : vector<64x1xf32> to vector<64x2048xf32>
      %mul3A_126 = arith.mulf %mul3A_125, %sub3A_119 : vector<64x2048xf32>
      %add3A_127 = arith.addf %mul3A_124, %mul3A_126 : vector<64x2048xf32>
      %mul3A_128 = arith.mulf %add3A_127, %sub3A_119 : vector<64x2048xf32>
      %add3A_129 = arith.addf %mul3A_122, %mul3A_128 : vector<64x2048xf32>
      %iota3A_130 = tpu.iota {dimensions = array<i32: 0>} : vector<64x1xi32>
      %mul3A_131 = arith.constant 64 : i32
      %mul3A_132 = arith.muli %add3A_103, %mul3A_131 : i32
      %add3A_133 = vector.broadcast %mul3A_132 : i32 to vector<64x1xi32>
      %add3A_134 = arith.addi %iota3A_130, %add3A_133 : vector<64x1xi32>
      %lt3A = vector.broadcast %get3A_4 : i32 to vector<64x1xi32>
      %lt3A_135 = arith.cmpi slt, %add3A_134, %lt3A : vector<64x1xi32>
      %jit3A_136 = arith.constant -1.000000e+30 : f32
      %broadcast_in_dim3A_137 = vector.shape_cast %lt3A_135 : vector<64x1xi1> to vector<64x1xi1>
      %broadcast_in_dim3A_138 = vector.broadcast %broadcast_in_dim3A_137 : vector<64x1xi1> to vector<64x2048xi1>
      %broadcast_in_dim3A_139 = vector.broadcast %jit3A_136 : f32 to vector<64x2048xf32>
      %select_n3A_140 = arith.select %broadcast_in_dim3A_138, %add3A_129, %broadcast_in_dim3A_139 : vector<64x2048xi1>, vector<64x2048xf32>
      %exp3A = math.exp %select_n3A_140 : vector<64x2048xf32>
      %slice3A_141 = vector.extract_strided_slice %get3A_111 {offsets = [0, 5], sizes = [64, 3], strides = [1, 1]} : vector<64x8xf32> to vector<64x3xf32>
      %dot_general3A = arith.constant dense<0.000000e+00> : vector<3x2048xf32>
      %dot_general3A_142 = tpu.matmul %slice3A_141, %exp3A, %dot_general3A {dimension_numbers = #tpu.dot_dimension_numbers<[0], [0], [1], [1], [0, 1, 1, 1], [], []>, transpose_lhs_hint = false} : vector<64x3xf32>, vector<64x2048xf32>, vector<3x2048xf32> -> vector<3x2048xf32>
      %add3A_143 = arith.addf %while3A_100, %dot_general3A_142 : vector<3x2048xf32>
      %min3A_144 = arith.constant 65 : i32
      %min3A_145 = arith.minsi %add3A_105, %min3A_144 : i32
      %get3A_146 = arith.index_cast %min3A_145 : i32 to index
      %get3A_147 = arith.constant 0 : index
      %get3A_148 = arith.constant 0 : index
      %get3A_149 = vector.load %arg2[%get3A_146, %get3A_147, %get3A_148] : memref<66x64x8xf32, #tpu.memory_space<vmem>>, vector<1x64x8xf32>
      %get3A_150 = vector.shape_cast %get3A_149 : vector<1x64x8xf32> to vector<64x8xf32>
      %slice3A_151 = vector.extract_strided_slice %get3A_150 {offsets = [0, 0], sizes = [64, 1], strides = [1, 1]} : vector<64x8xf32> to vector<64x1xf32>
      %slice3A_152 = vector.extract_strided_slice %get3A_150 {offsets = [0, 1], sizes = [64, 1], strides = [1, 1]} : vector<64x8xf32> to vector<64x1xf32>
      %slice3A_153 = vector.extract_strided_slice %get3A_150 {offsets = [0, 2], sizes = [64, 1], strides = [1, 1]} : vector<64x8xf32> to vector<64x1xf32>
      %slice3A_154 = vector.extract_strided_slice %get3A_150 {offsets = [0, 3], sizes = [64, 1], strides = [1, 1]} : vector<64x8xf32> to vector<64x1xf32>
      %slice3A_155 = vector.extract_strided_slice %get3A_150 {offsets = [0, 4], sizes = [64, 1], strides = [1, 1]} : vector<64x8xf32> to vector<64x1xf32>
      %sub3A_156 = vector.broadcast %slice3A_151 : vector<64x1xf32> to vector<64x2048xf32>
      %sub3A_157 = arith.subf %convert_element_type3A, %sub3A_156 : vector<64x2048xf32>
      %sub3A_158 = vector.broadcast %slice3A_152 : vector<64x1xf32> to vector<64x2048xf32>
      %sub3A_159 = arith.subf %add3A_57, %sub3A_158 : vector<64x2048xf32>
      %mul3A_160 = vector.broadcast %slice3A_153 : vector<64x1xf32> to vector<64x2048xf32>
      %mul3A_161 = arith.mulf %mul3A_160, %sub3A_157 : vector<64x2048xf32>
      %mul3A_162 = arith.mulf %mul3A_161, %sub3A_157 : vector<64x2048xf32>
      %mul3A_163 = vector.broadcast %slice3A_154 : vector<64x1xf32> to vector<64x2048xf32>
      %mul3A_164 = arith.mulf %mul3A_163, %sub3A_157 : vector<64x2048xf32>
      %mul3A_165 = vector.broadcast %slice3A_155 : vector<64x1xf32> to vector<64x2048xf32>
      %mul3A_166 = arith.mulf %mul3A_165, %sub3A_159 : vector<64x2048xf32>
      %add3A_167 = arith.addf %mul3A_164, %mul3A_166 : vector<64x2048xf32>
      %mul3A_168 = arith.mulf %add3A_167, %sub3A_159 : vector<64x2048xf32>
      %add3A_169 = arith.addf %mul3A_162, %mul3A_168 : vector<64x2048xf32>
      %iota3A_170 = tpu.iota {dimensions = array<i32: 0>} : vector<64x1xi32>
      %mul3A_171 = arith.constant 64 : i32
      %mul3A_172 = arith.muli %add3A_105, %mul3A_171 : i32
      %add3A_173 = vector.broadcast %mul3A_172 : i32 to vector<64x1xi32>
      %add3A_174 = arith.addi %iota3A_170, %add3A_173 : vector<64x1xi32>
      %lt3A_175 = vector.broadcast %get3A_4 : i32 to vector<64x1xi32>
      %lt3A_176 = arith.cmpi slt, %add3A_174, %lt3A_175 : vector<64x1xi32>
      %jit3A_177 = arith.constant -1.000000e+30 : f32
      %broadcast_in_dim3A_178 = vector.shape_cast %lt3A_176 : vector<64x1xi1> to vector<64x1xi1>
      %broadcast_in_dim3A_179 = vector.broadcast %broadcast_in_dim3A_178 : vector<64x1xi1> to vector<64x2048xi1>
      %broadcast_in_dim3A_180 = vector.broadcast %jit3A_177 : f32 to vector<64x2048xf32>
      %select_n3A_181 = arith.select %broadcast_in_dim3A_179, %add3A_169, %broadcast_in_dim3A_180 : vector<64x2048xi1>, vector<64x2048xf32>
      %exp3A_182 = math.exp %select_n3A_181 : vector<64x2048xf32>
      %slice3A_183 = vector.extract_strided_slice %get3A_150 {offsets = [0, 5], sizes = [64, 3], strides = [1, 1]} : vector<64x8xf32> to vector<64x3xf32>
      %dot_general3A_184 = arith.constant dense<0.000000e+00> : vector<3x2048xf32>
      %dot_general3A_185 = tpu.matmul %slice3A_183, %exp3A_182, %dot_general3A_184 {dimension_numbers = #tpu.dot_dimension_numbers<[0], [0], [1], [1], [0, 1, 1, 1], [], []>, transpose_lhs_hint = false} : vector<64x3xf32>, vector<64x2048xf32>, vector<3x2048xf32> -> vector<3x2048xf32>
      %add3A_186 = arith.addf %add3A_143, %dot_general3A_185 : vector<3x2048xf32>
      scf.yield %add3A_186 : vector<3x2048xf32>
    }
    %while3A_94 = arith.constant 1 : i32
    %while3A_95 = scf.for %while3A_99 = %while3A_91 to %while3A_87 step %while3A_94 iter_args(%while3A_100 = %while3A_93) -> (vector<3x2048xf32>)  : i32 {
      %mul3A_101 = arith.constant 2 : i32
      %mul3A_102 = arith.muli %mul3A_101, %while3A_99 : i32
      %add3A_103 = arith.addi %select_n3A, %mul3A_102 : i32
      %add3A_104 = arith.constant 1 : i32
      %add3A_105 = arith.addi %add3A_103, %add3A_104 : i32
      %min3A = arith.constant 65 : i32
      %min3A_106 = arith.minsi %add3A_103, %min3A : i32
      %get3A_107 = arith.index_cast %min3A_106 : i32 to index
      %get3A_108 = arith.constant 0 : index
      %get3A_109 = arith.constant 0 : index
      %get3A_110 = vector.load %arg2[%get3A_107, %get3A_108, %get3A_109] : memref<66x64x8xf32, #tpu.memory_space<vmem>>, vector<1x64x8xf32>
      %get3A_111 = vector.shape_cast %get3A_110 : vector<1x64x8xf32> to vector<64x8xf32>
      %slice3A = vector.extract_strided_slice %get3A_111 {offsets = [0, 0], sizes = [64, 1], strides = [1, 1]} : vector<64x8xf32> to vector<64x1xf32>
      %slice3A_112 = vector.extract_strided_slice %get3A_111 {offsets = [0, 1], sizes = [64, 1], strides = [1, 1]} : vector<64x8xf32> to vector<64x1xf32>
      %slice3A_113 = vector.extract_strided_slice %get3A_111 {offsets = [0, 2], sizes = [64, 1], strides = [1, 1]} : vector<64x8xf32> to vector<64x1xf32>
      %slice3A_114 = vector.extract_strided_slice %get3A_111 {offsets = [0, 3], sizes = [64, 1], strides = [1, 1]} : vector<64x8xf32> to vector<64x1xf32>
      %slice3A_115 = vector.extract_strided_slice %get3A_111 {offsets = [0, 4], sizes = [64, 1], strides = [1, 1]} : vector<64x8xf32> to vector<64x1xf32>
      %sub3A_116 = vector.broadcast %slice3A : vector<64x1xf32> to vector<64x2048xf32>
      %sub3A_117 = arith.subf %convert_element_type3A, %sub3A_116 : vector<64x2048xf32>
      %sub3A_118 = vector.broadcast %slice3A_112 : vector<64x1xf32> to vector<64x2048xf32>
      %sub3A_119 = arith.subf %add3A_57, %sub3A_118 : vector<64x2048xf32>
      %mul3A_120 = vector.broadcast %slice3A_113 : vector<64x1xf32> to vector<64x2048xf32>
      %mul3A_121 = arith.mulf %mul3A_120, %sub3A_117 : vector<64x2048xf32>
      %mul3A_122 = arith.mulf %mul3A_121, %sub3A_117 : vector<64x2048xf32>
      %mul3A_123 = vector.broadcast %slice3A_114 : vector<64x1xf32> to vector<64x2048xf32>
      %mul3A_124 = arith.mulf %mul3A_123, %sub3A_117 : vector<64x2048xf32>
      %mul3A_125 = vector.broadcast %slice3A_115 : vector<64x1xf32> to vector<64x2048xf32>
      %mul3A_126 = arith.mulf %mul3A_125, %sub3A_119 : vector<64x2048xf32>
      %add3A_127 = arith.addf %mul3A_124, %mul3A_126 : vector<64x2048xf32>
      %mul3A_128 = arith.mulf %add3A_127, %sub3A_119 : vector<64x2048xf32>
      %add3A_129 = arith.addf %mul3A_122, %mul3A_128 : vector<64x2048xf32>
      %iota3A_130 = tpu.iota {dimensions = array<i32: 0>} : vector<64x1xi32>
      %mul3A_131 = arith.constant 64 : i32
      %mul3A_132 = arith.muli %add3A_103, %mul3A_131 : i32
      %add3A_133 = vector.broadcast %mul3A_132 : i32 to vector<64x1xi32>
      %add3A_134 = arith.addi %iota3A_130, %add3A_133 : vector<64x1xi32>
      %lt3A = vector.broadcast %get3A_4 : i32 to vector<64x1xi32>
      %lt3A_135 = arith.cmpi slt, %add3A_134, %lt3A : vector<64x1xi32>
      %jit3A_136 = arith.constant -1.000000e+30 : f32
      %broadcast_in_dim3A_137 = vector.shape_cast %lt3A_135 : vector<64x1xi1> to vector<64x1xi1>
      %broadcast_in_dim3A_138 = vector.broadcast %broadcast_in_dim3A_137 : vector<64x1xi1> to vector<64x2048xi1>
      %broadcast_in_dim3A_139 = vector.broadcast %jit3A_136 : f32 to vector<64x2048xf32>
      %select_n3A_140 = arith.select %broadcast_in_dim3A_138, %add3A_129, %broadcast_in_dim3A_139 : vector<64x2048xi1>, vector<64x2048xf32>
      %exp3A = math.exp %select_n3A_140 : vector<64x2048xf32>
      %slice3A_141 = vector.extract_strided_slice %get3A_111 {offsets = [0, 5], sizes = [64, 3], strides = [1, 1]} : vector<64x8xf32> to vector<64x3xf32>
      %dot_general3A = arith.constant dense<0.000000e+00> : vector<3x2048xf32>
      %dot_general3A_142 = tpu.matmul %slice3A_141, %exp3A, %dot_general3A {dimension_numbers = #tpu.dot_dimension_numbers<[0], [0], [1], [1], [0, 1, 1, 1], [], []>, transpose_lhs_hint = false} : vector<64x3xf32>, vector<64x2048xf32>, vector<3x2048xf32> -> vector<3x2048xf32>
      %add3A_143 = arith.addf %while3A_100, %dot_general3A_142 : vector<3x2048xf32>
      %min3A_144 = arith.constant 65 : i32
      %min3A_145 = arith.minsi %add3A_105, %min3A_144 : i32
      %get3A_146 = arith.index_cast %min3A_145 : i32 to index
      %get3A_147 = arith.constant 0 : index
      %get3A_148 = arith.constant 0 : index
      %get3A_149 = vector.load %arg2[%get3A_146, %get3A_147, %get3A_148] : memref<66x64x8xf32, #tpu.memory_space<vmem>>, vector<1x64x8xf32>
      %get3A_150 = vector.shape_cast %get3A_149 : vector<1x64x8xf32> to vector<64x8xf32>
      %slice3A_151 = vector.extract_strided_slice %get3A_150 {offsets = [0, 0], sizes = [64, 1], strides = [1, 1]} : vector<64x8xf32> to vector<64x1xf32>
      %slice3A_152 = vector.extract_strided_slice %get3A_150 {offsets = [0, 1], sizes = [64, 1], strides = [1, 1]} : vector<64x8xf32> to vector<64x1xf32>
      %slice3A_153 = vector.extract_strided_slice %get3A_150 {offsets = [0, 2], sizes = [64, 1], strides = [1, 1]} : vector<64x8xf32> to vector<64x1xf32>
      %slice3A_154 = vector.extract_strided_slice %get3A_150 {offsets = [0, 3], sizes = [64, 1], strides = [1, 1]} : vector<64x8xf32> to vector<64x1xf32>
      %slice3A_155 = vector.extract_strided_slice %get3A_150 {offsets = [0, 4], sizes = [64, 1], strides = [1, 1]} : vector<64x8xf32> to vector<64x1xf32>
      %sub3A_156 = vector.broadcast %slice3A_151 : vector<64x1xf32> to vector<64x2048xf32>
      %sub3A_157 = arith.subf %convert_element_type3A, %sub3A_156 : vector<64x2048xf32>
      %sub3A_158 = vector.broadcast %slice3A_152 : vector<64x1xf32> to vector<64x2048xf32>
      %sub3A_159 = arith.subf %add3A_57, %sub3A_158 : vector<64x2048xf32>
      %mul3A_160 = vector.broadcast %slice3A_153 : vector<64x1xf32> to vector<64x2048xf32>
      %mul3A_161 = arith.mulf %mul3A_160, %sub3A_157 : vector<64x2048xf32>
      %mul3A_162 = arith.mulf %mul3A_161, %sub3A_157 : vector<64x2048xf32>
      %mul3A_163 = vector.broadcast %slice3A_154 : vector<64x1xf32> to vector<64x2048xf32>
      %mul3A_164 = arith.mulf %mul3A_163, %sub3A_157 : vector<64x2048xf32>
      %mul3A_165 = vector.broadcast %slice3A_155 : vector<64x1xf32> to vector<64x2048xf32>
      %mul3A_166 = arith.mulf %mul3A_165, %sub3A_159 : vector<64x2048xf32>
      %add3A_167 = arith.addf %mul3A_164, %mul3A_166 : vector<64x2048xf32>
      %mul3A_168 = arith.mulf %add3A_167, %sub3A_159 : vector<64x2048xf32>
      %add3A_169 = arith.addf %mul3A_162, %mul3A_168 : vector<64x2048xf32>
      %iota3A_170 = tpu.iota {dimensions = array<i32: 0>} : vector<64x1xi32>
      %mul3A_171 = arith.constant 64 : i32
      %mul3A_172 = arith.muli %add3A_105, %mul3A_171 : i32
      %add3A_173 = vector.broadcast %mul3A_172 : i32 to vector<64x1xi32>
      %add3A_174 = arith.addi %iota3A_170, %add3A_173 : vector<64x1xi32>
      %lt3A_175 = vector.broadcast %get3A_4 : i32 to vector<64x1xi32>
      %lt3A_176 = arith.cmpi slt, %add3A_174, %lt3A_175 : vector<64x1xi32>
      %jit3A_177 = arith.constant -1.000000e+30 : f32
      %broadcast_in_dim3A_178 = vector.shape_cast %lt3A_176 : vector<64x1xi1> to vector<64x1xi1>
      %broadcast_in_dim3A_179 = vector.broadcast %broadcast_in_dim3A_178 : vector<64x1xi1> to vector<64x2048xi1>
      %broadcast_in_dim3A_180 = vector.broadcast %jit3A_177 : f32 to vector<64x2048xf32>
      %select_n3A_181 = arith.select %broadcast_in_dim3A_179, %add3A_169, %broadcast_in_dim3A_180 : vector<64x2048xi1>, vector<64x2048xf32>
      %exp3A_182 = math.exp %select_n3A_181 : vector<64x2048xf32>
      %slice3A_183 = vector.extract_strided_slice %get3A_150 {offsets = [0, 5], sizes = [64, 3], strides = [1, 1]} : vector<64x8xf32> to vector<64x3xf32>
      %dot_general3A_184 = arith.constant dense<0.000000e+00> : vector<3x2048xf32>
      %dot_general3A_185 = tpu.matmul %slice3A_183, %exp3A_182, %dot_general3A_184 {dimension_numbers = #tpu.dot_dimension_numbers<[0], [0], [1], [1], [0, 1, 1, 1], [], []>, transpose_lhs_hint = false} : vector<64x3xf32>, vector<64x2048xf32>, vector<3x2048xf32> -> vector<3x2048xf32>
      %add3A_186 = arith.addf %add3A_143, %dot_general3A_185 : vector<3x2048xf32>
      scf.yield %add3A_186 : vector<3x2048xf32>
    }
    %reshape3A = vector.shape_cast %while3A_95 : vector<3x2048xf32> to vector<3x8x256xf32>
    %swap3A = arith.constant 0 : index
    %swap3A_96 = arith.constant 0 : index
    %swap3A_97 = arith.constant 0 : index
    %swap3A_98 = vector.load %arg3[%swap3A, %swap3A_96, %swap3A_97] : memref<3x8x256xf32, #tpu.memory_space<vmem>>, vector<3x8x256xf32>
    tpu.vector_store %arg3[%swap3A, %swap3A_96, %swap3A_97], %reshape3A {strides = array<i32>} : memref<3x8x256xf32, #tpu.memory_space<vmem>>, vector<3x8x256xf32>,
    return
  }
  func.func @transform_0(%arg0: i32, %arg1: memref<2x32xi32, #tpu.memory_space<smem>>) -> (i32, i32, i32) {
    %c0_i32 = arith.constant 0 : i32
    %c0_i32_0 = arith.constant 0 : i32
    %c0_i32_1 = arith.constant 0 : i32
    %c0_i32_2 = arith.constant 0 : i32
    return %c0_i32, %c0_i32_0, %c0_i32_1 : i32, i32, i32
  }
  func.func @transform_1(%arg0: i32, %arg1: memref<2x32xi32, #tpu.memory_space<smem>>) -> (i32, i32, i32) {
    %c0_i32 = arith.constant 0 : i32
    %c0_i32_0 = arith.constant 0 : i32
    %c0_i32_1 = arith.constant 0 : i32
    return %c0_i32, %arg0, %c0_i32_0 : i32, i32, i32
  }
}

</mosaic_0001>

<sc_bundles>
// kernel: kernel.5.cloned.1.call-start
scs
__scs_entry_jumppad:
0x0: {  	(pc) =	sbr.rel $0x88, $3  }
0x1: {  	(tag) =	ssettag $0x0;
	lr =	simm.s32 $0x1  }
0x2: {  	[smem:$0x3F9C] =	sst lr;
	_ =	strace $0xD0000000  }
0x3: {  	_ = 	snop  }
0x4: {  	_ = 	snop  }
0x5: {  	_ = 	snop  }
0x6: {  	_ = 	snop  }
0x7: {  	_ = 	snop  }
__scs_overlays_trampoline_lowered:
0x8: {  	[smem:$0x3FAB] =	sst s0  }
0x9: {  	[smem:$0x3FAC] =	sst s1  }
0xa: {  	[smem:$0x3FAD] =	sst s2  }
0xb: {  	[smem:$0x3FAE] =	sst s3  }
0xc: {  	[smem:$0x3FAF] =	sst s4  }
0xd: {  	[smem:$0x3FB0] =	sst s5  }
0xe: {  	[smem:$0x3FB1] =	sst s6  }
0xf: {  	[smem:$0x3FB2] =	sst s7  }
0x10: {  	[smem:$0x3FB3] =	sst s8  }
0x11: {  	[smem:$0x3FB4] =	sst s9;
	s0 =	simm.s32 @!p0 $0x0  }
0x12: {  	s1 =	sld [smem:$0x3F9A];
	s0 =	simm.s32 @p0 $0x1  }
0x13: {  	[smem:$0x3FB5] =	sst s0;
	s0 =	simm.s32 @!p1 $0x0  }
0x14: {  	s2 =	sld [smem:$0x3F99];
	s0 =	simm.s32 @p1 $0x1  }
0x15: {  	[smem:$0x3FB6] =	sst s0;
	s0 =	simm.s32 @!p2 $0x0  }
0x16: {  	s3 =	sld [smem:$0x3FDB];
	s0 =	simm.s32 @p2 $0x1  }
0x17: {  	s4 =	simm.s32 $0x1BF5;
	[smem:$0x3FB8] =	sst s0  }
0x18: {  	s0 =	sld [smem:$0x3F9B];
	_ =	swait.ge [sflag:s4], $0x0  }
0x19: {  	s7 =	sld [smem:$0x3F9C]  }
0x1a: {  	s8 =	sadd.s32 $0xFFFFE003, lr  }
0x1b: {  	s9 =	sadd.s32 $0xFFFFFEF7, lr;
	s5 =	simm.s32 $0xFFFFFFFF;
	p2 =	slt.u32 s8, $0xFFFFF086  }
0x1c: {  	p1 =	slt.u32 s9, $0xF7A;
	s5 =	simm.s32 @!p2 $0x0  }
0x1d: {  	s5 =	simm.s32 @p1 $0x1;
	p0 =	seq.s32 s7, s2  }
0x1e: {  	s7 =	smul.u32 @!p0 $0xF7A, s2;
	p2 =	seq.s32 @!p0 s5, $0x0  }
0x1f: {  	s9 =	smul.u32 $0xF7A, s1;
	s8 =	simm.s32 @!p0 $0x1BF5;
	p2 =	por !p2, p0  }
0x20: {  	[sflag:s8] =	ssyncset.s32 @!p0 $0xFFFFF086;
	s6 =	sadd.s32 @!p0 s3, s7;
	s7 =	simm.s32 @!p0 $0x108  }
0x21: {  	s3 =	sadd.s32 s3, s9;
	s6 =	sadd.s32 @!p0 $0x88, s6;
	s7 =	simm.s32 @p2 $0x1082  }
0x22: {  	[simem:s7], [sflag:s8] =	dma.local @!p0 [hbm:s6], $0xF7A  }
0x23: {  	s9 =	sor.u32 $0xD0000000, s2;
	s6 =	simm.s32 $0x108;
	_ =	swait.ge @!p0 [sflag:s8], $0x0  }
0x24: {  	s3 =	sadd.s32 $0x88, s3;
	s6 =	simm.s32 @!p1 $0x1082;
	[sflag:s4] =	ssyncset.s32 $0xFFFFF086  }
0x25: {  	[simem:s6], [sflag:s4] =	dma.local [hbm:s3], $0xF7A  }
0x26: {  	[smem:$0x3F9C] =	sst s1;
	(tag) =	ssettag s2;
	_ =	strace s9  }
0x27: {  	s1 =	sld [smem:$0x3FAC]  }
0x28: {  	s2 =	sld [smem:$0x3FAD]  }
0x29: {  	s4 =	sld [smem:$0x3FAF]  }
0x2a: {  	p0 =	seq.s32 s5, $0x0;
	s5 =	sld [smem:$0x3FB0]  }
0x2b: {  	s6 =	sld [smem:$0x3FB1]  }
0x2c: {  	s7 =	sld [smem:$0x3FB2]  }
0x2d: {  	s3 =	simm.s32 $0x108;
	s8 =	sld [smem:$0x3FB3]  }
0x2e: {  	s3 =	simm.s32 @!p0 $0x1082;
	s9 =	sld [smem:$0x3FB4]  }
0x2f: {  	lr =	sadd.s32 s0, s3;
	s0 =	sld [smem:$0x3FAB]  }
0x30: {  	s3 =	sld [smem:$0x3FAE]  }
0x31: {  	[smem:$0x3FB7] =	sst s10  }
0x32: {  	s10 =	sld [smem:$0x3FB5];
	_ =	sdelay $0x3  }
0x33: {  	p0 =	seq.s32 s10, $0x1;
	s10 =	sld [smem:$0x3FB7];
	_ =	sdelay $0x3  }
0x34: {  	[smem:$0x3FB7] =	sst s10  }
0x35: {  	s10 =	sld [smem:$0x3FB6];
	_ =	sdelay $0x3  }
0x36: {  	p1 =	seq.s32 s10, $0x1;
	s10 =	sld [smem:$0x3FB7];
	_ =	sdelay $0x3  }
0x37: {  	[smem:$0x3FB7] =	sst s10  }
0x38: {  	s10 =	sld [smem:$0x3FB8]  }
0x39: {  	_ = 	snop;
	(pc) =	sbr.ind lr, $3  }
0x3a: {  	_ = 	snop  }
0x3b: {  	_ = 	snop  }
0x3c: {  	p2 =	seq.s32 s10, $0x1;
	s10 =	sld [smem:$0x3FB7]  }
0x3d: {  	_ =	shalt  }
0x3e: {  	_ =	shalt  }
0x3f: {  	_ =	shalt  }
0x40: {  	_ =	shalt  }
0x41: {  	_ =	shalt  }
0x42: {  	_ =	shalt  }
0x43: {  	_ =	shalt  }
0x44: {  	_ =	shalt  }
0x45: {  	_ =	shalt  }
0x46: {  	_ =	shalt  }
0x47: {  	_ =	shalt  }
0x48: {  	_ =	shalt  }
0x49: {  	_ =	shalt  }
0x4a: {  	_ =	shalt  }
0x4b: {  	_ =	shalt  }
0x4c: {  	_ =	shalt  }
0x4d: {  	_ =	shalt  }
0x4e: {  	_ =	shalt  }
0x4f: {  	_ =	shalt  }
0x50: {  	_ =	shalt  }
0x51: {  	_ =	shalt  }
0x52: {  	_ =	shalt  }
0x53: {  	_ =	shalt  }
0x54: {  	_ =	shalt  }
0x55: {  	_ =	shalt  }
0x56: {  	_ =	shalt  }
0x57: {  	_ =	shalt  }
0x58: {  	_ =	shalt  }
0x59: {  	_ =	shalt  }
0x5a: {  	_ =	shalt  }
0x5b: {  	_ =	shalt  }
0x5c: {  	_ =	shalt  }
0x5d: {  	_ =	shalt  }
0x5e: {  	_ =	shalt  }
0x5f: {  	_ =	shalt  }
0x60: {  	_ =	shalt  }
0x61: {  	_ =	shalt  }
0x62: {  	_ =	shalt  }
0x63: {  	_ =	shalt  }
0x64: {  	_ =	shalt  }
0x65: {  	_ =	shalt  }
0x66: {  	_ =	shalt  }
0x67: {  	_ =	shalt  }
0x68: {  	_ =	shalt  }
0x69: {  	_ =	shalt  }
0x6a: {  	_ =	shalt  }
0x6b: {  	_ =	shalt  }
0x6c: {  	_ =	shalt  }
0x6d: {  	_ =	shalt  }
0x6e: {  	_ =	shalt  }
0x6f: {  	_ =	shalt  }
0x70: {  	_ =	shalt  }
0x71: {  	_ =	shalt  }
0x72: {  	_ =	shalt  }
0x73: {  	_ =	shalt  }
0x74: {  	_ =	shalt  }
0x75: {  	_ =	shalt  }
0x76: {  	_ =	shalt  }
0x77: {  	_ =	shalt  }
0x78: {  	_ =	shalt  }
0x79: {  	_ =	shalt  }
0x7a: {  	_ =	shalt  }
0x7b: {  	_ =	shalt  }
0x7c: {  	_ =	shalt  }
0x7d: {  	_ =	shalt  }
0x7e: {  	_ =	shalt  }
0x7f: {  	_ =	shalt  }
0x80: {  	_ =	shalt  }
0x81: {  	_ =	shalt  }
0x82: {  	_ =	shalt  }
0x83: {  	_ =	shalt  }
0x84: {  	_ =	shalt  }
0x85: {  	_ =	shalt  }
0x86: {  	_ =	shalt  }
0x87: {  	_ =	shalt  }
.Lfunc_end0:
.L_simem_size_0:
called_computation_lowered:
.L_overlay_start_0:
0x88: {  	s2 =	sld [smem:$0x3FD9]  }
0x89: {  	s3 =	sld [smem:$0x3FFE];
	_ =	sdelay $0x1  }
0x8a: {  	s1 =	srdreg.scid  }
0x8b: {  	s0 =	sand.u32 $0x1, s1  }
0x8c: {  	s17 =	sshll.u32 s0, $0xA;
	s2 =	sadd.s32 s3, s2  }
0x8d: {  	s2 =	sadd.s32 s2, s17  }
0x8e: {  	[smem:$0x3FC3] =	sst s2  }
0x8f: {  	_ = 	snop  }
0x90: {  	s2 =	sld [smem:$0x3FD0];
	(tm) =	ssettm $0x1  }
0x91: {  	s18 =	sld [smem:$0x3FFB];
	_ =	sdelay $0x3  }
0x92: {  	_ =	strace s18  }
0x93: {  	s3 =	sld [smem:$0x3FFC];
	_ =	sdelay $0x3  }
0x94: {  	_ =	strace s3  }
0x95: {  	s3 =	sld [smem:$0x3FFD];
	_ =	sdelay $0x3  }
0x96: {  	_ =	strace s3  }
0x97: {  	_ =	strace $0x8FFFFFFF  }
0x98: {  	s19 =	sld [smem:$0x3FDB];
	_ =	sdelay $0x1  }
0x99: {  	s4 =	simm.s32 $_scs_section_size  }
0x9a: {  	s5 =	simm.s32 $_size__tile_overlayer_lowered;
	s6 =	simm.s32 $_tile_overlayer_lowered  }
0x9b: {  	s22 =	simm.s32 $0x1BFF;
	s21 =	sshll.u32 s6, $0x1;
	s3 =	sadd.s32 s4, s19  }
0x9c: {  	s7 =	simm.s32 $0x0;
	s20 =	sshll.u32 s5, $0x1;
	s5 =	sadd.s32 s21, s3  }
0x9d: {  	[timem:s7], [sflag:s22] =	dma.local [hbm:s5], s20  }
0x9e: {  	_ =	swait.ge [sflag:s22], s20  }
0x9f: {  	s4 =	ssub.s32 $0x0, s20;
	[sflag:s22] =	ssyncset.done $0x0  }
0xa0: {  	[sflag:s22] =	ssyncadd.s32 s4;
	_ =	sdelay $0x1  }
0xa1: {  	s23 =	simm.s32 $0x1B8B  }
0xa2: {  	_ =	swait.ge [sflag:s23], $0x1  }
0xa3: {  	[sflag:s23] =	ssyncset.done $0x0  }
0xa4: {  	s25 =	simm.s32 $0x1B8E;
	s24 =	sld [smem:$0x3FFE];
	[sflag:s23] =	ssyncadd.s32 $0xFFFFFFFF  }
0xa5: {  	s26 =	simm.s32 $execute0_lowered;
	[smem:$0x3FD2] =	sst s25  }
0xa6: {  	s5 =	sshll.u32 s26, $0x1;
	_ =	strace $0x80000046;
	[dreg:$0x1] =	wrdreg $0xFFFFFFFF  }
0xa7: {  	s28 =	simm.s32 $_size_execute0_lowered;
	s3 =	sadd.s32 s3, s5;
	[dreg:$0x0] =	wrdreg $0x0  }
0xa8: {  	s5 =	sshll.u32 s28, $0x1;
	[dreg:$0x2] =	wrdreg s3  }
0xa9: {  	[dreg:$0x3] =	wrdreg s5  }
0xaa: {  	[dreg:$0x4] =	wrdreg $0xC0  }
0xab: {  	_ =	task [dreg:s7], $0x5FFFF  }
0xac: {  	[dreg:$0x1] =	wrdreg $0xFFFFFFFF  }
0xad: {  	[dreg:$0x0] =	wrdreg $0x60  }
0xae: {  	[dreg:$0x2] =	wrdreg s24  }
0xaf: {  	[dreg:$0x3] =	wrdreg s2  }
0xb0: {  	[dreg:$0x4] =	wrdreg $0x9  }
0xb1: {  	_ =	task.clear_ibuf [dreg:s7], $0x5FFFF;
	_ =	strace $0x90000046  }
0xb2: {  	s29 =	simm.s32 $0x9;
	_ =	strace $0x80000048  }
0xb3: {  	_ =	swait.ge [sflag:s29], $0x1  }
0xb4: {  	[sflag:s29] =	ssyncadd.s32 $0xFFFFFFFF  }
0xb5: {  	_ =	strace $0x90000048  }
0xb6: {  	_ =	sfence  }
0xb7: {  	s30 =	sld [smem:$0x0];
	_ =	sdelay $0x2  }
0xb8: {  	s31 =	sshll.u32 s1, $0xD;
	s1 =	sshrl.u32 s1, $0x2  }
0xb9: {  	s3 =	sand.u32 $0x4000, s31;
	s1 =	sadd.s32 s1, s30  }
0xba: {  	s0 =	sor.u32 s3, s0;
	s1 =	sshll.u32 s1, $0x11  }
0xbb: {  	s0 =	sor.u32 s1, s0  }
0xbc: {  	s0 =	sadd.s32 $0x8F2B, s0  }
0xbd: {  	[sflag:s0] =	ssyncadd.remote.s32 $0x1  }
0xbe: {  	_ =	sfence.sel $0xFFFF  }
0xbf: {  	[dreg:$0x0] =	wrdreg $0xFFFFFFFF;
	(pc) =	sbr.abs _section_cstart, $3  }
0xc0: {  	[dreg:$0x1] =	wrdreg $0xFFFFFFFF  }
0xc1: {  	_ =	task.clear_ibuf [dreg:s7], $0x2FFFF;
	_ =	strace $0x9FFFFFFF  }
0xc2: {  	(tm) =	ssettm $0x7FFFFFFF  }
0xc3: {  	_ =	shalt  }
tec
execute0_lowered:
.L_overlay_start_1:
0x0: {  	(tag) =	ssettag $0x1  }
0x1: {  	v0 =	vimm.s32 $0xEDCBA987;
	v1 =	vimm.s32 $0x65432100  }
0x2: {  	v3 =	vimm.s32 $0xDCBA9876;
	v6 =	vimm.s32 $0xE40000;
	v0 =	vunpack.c.l.s4.s8 v0  }
0x3: {  	v7 =	vimm.s32 $0x32100000;
	vm0 =	vmmov $0x3;
	v1 =	vunpack.c.l.s4.s8 v1  }
0x4: {  	s1 =	srdreg.scid;
	s0 =	stileid.u32;
	vm2 =	vcmask $0x3F30;
	v3 =	vunpack.c.l.s4.s8 v3;
	v2 =	vunpack.c.0.s8.s32 v0  }
0x5: {  	vm1 =	vmmov $0xf;
	s4 =	sand.u32 $0x1, s1;
	s31 =	sshll.u32 s0, $0x1;
	v4 =	vunpack.c.0.s8.s32 v1;
	v1 =	vimm.s32 $0x54321000  }
0x6: {  	s9 =	sor.u32 s4, s31;
	v3 =	vunpack.c.0.s8.s32 v3;
	v5 =	vunpack.c.l.s4.s8 v1;
	v2 =	vand.u32 $0xF, v2  }
0x7: {  	v0 =	vmov s9;
	v2 =	vcombine.low v4, v2;
	v4 =	vunpack.c.l.s2.s4 v6  }
0x8: {  	s6 =	rddreg [dreg:$0x0];
	v5 =	vunpack.c.0.s8.s32 v5;
	v6 =	vand.u32 $0xF, v3;
	v3 =	vimm.s32 $0xBA987654  }
0x9: {  	s2 =	rddreg [dreg:$0x1];
	s3 =	simm.s32 $0x0;
	v1 =	vimm.s32 $0x0;
	v8 =	vunpack.c.l.s4.s8 v3;
	v3 =	vlaneseq.u32  }
0xa: {  	s10 =	simm.s32 $0x1000;
	s11 =	simm.s32 $0x1;
	s12 =	simm.s32 $0x80;
	v9 =	vunpack.c.l.s4.s8 v4;
	v4 =	vcombine.low v5, v6;
	v5 =	vunpack.c.l.s4.s8 v7  }
0xb: {  	s13 =	simm.s32 $0x2080;
	s14 =	simm.s32 $0x2000;
	s15 =	simm.s32 $0x2;
	v7 =	vimm.s32 $0x7060504;
	v10 =	vor.u32 $0x1030, v3;
	v11 =	vor.u32 $0x1040, v3  }
.Ltmp0:
0xc: {  	s16 =	simm.s32 $0x0;
	s1 =	rddreg [dreg:$0x2];
	v12 =	vor.u32 $0x1050, v3;
	v6 =	vunpack.c.0.s8.s32 v8;
	v8 =	vunpack.c.0.s8.s32 v9;
	(pc) =	sbr.rel .LBB2_1-.Ltmp0, $4  }
0xd: {  	[smem:$0x7FF] =	sst s3;
	s5 =	sadd.s32 $0xA00, s6;
	s7 =	ssub.s32 $0x2, s4;
	v13 =	vor.u32 $0x1060, v3;
	v7 =	vunpack.c.0.s8.s32 v7;
	v5 =	vunpack.c.0.s8.s32 v5  }
0xe: {  	_ =	strace $0x80000047;
	s4 =	sadd.s32 $0x800, s6;
	s8 =	sshrl.u32 s7, $0x1;
	v14 =	vor.u32 $0x1070, v3;
	v6 =	vand.u32 $0xF, v6;
	v8 =	vand.u32 $0x3, v8  }
0xf: {  	s6 =	sadd.s32 $0x1A00, s6;
	p0 =	sne.s32 s9, $0x0;
	s8 =	ssub.s32 s7, s8;
	v9 =	vor.u32 $0x1020, v3;
	v5 =	vcombine.low v5, v6;
	v6 =	vsel vm2, v7, v8  }
0x10: {  	s9 =	simm.s32 $0x3;
	s7 =	sadd.s32 $0x1000, s2;
	s8 =	smax.u32 s8, $0x1;
	vm2 =	vmmov $0xff;
	v7 =	vor.u32 $0x1000, v3;
	v8 =	vor.u32 $0x1010, v3  }
.LBB2_10:
0x11: {  	[tilespmem:$0x2010] =	vst v17  }
0x12: {  	[tilespmem:s13], [sflag:$0x1] =	stream.indirect.gather [hbm4b:s5+s12], $0x8, s20, s12, $0xb8;
	[tilespmem:$0x2480] =	vst v63  }
0x13: {  	_ =	swait.ge [sflag:s11], $0x400  }
0x14: {  	[sflag:s11] =	ssyncset.done $0x0  }
0x15: {  	[sflag:s11] =	ssyncadd.s32 $0xFFFFFC00  }
0x16: {  	[hbm4b:s2+s12] =	stream.indirect.scatter [tilespmem:s13], [sflag:$0x2], $0x8, s14, s12, $0xb8;
	[tilespmem:$0x2480] =	vst v63  }
0x17: {  	_ =	swait.ge [sflag:s15], $0x400  }
0x18: {  	[sflag:s15] =	ssyncset.done $0x0  }
0x19: {  	[sflag:s15] =	ssyncadd.s32 $0xFFFFFC00  }
.LBB2_11:
0x1a: {  	s16 =	sadd.s32 $0x1, s16  }
0x1b: {  	p1 =	sne.s32 s16, s8  }
.Ltmp1:
0x1c: {  	_ = 	snop;
	(pc) =	sbr.rel @!p1 .LBB2_12-.Ltmp1, $1  }
0x1d: {  	_ =	sdelay $0x3  }
.LBB2_1:
0x1e: {  	[tilespmem:s3], [sflag:$0x3] =	stream.linear.gather [hbm4b:s4+s3], $0x1000, $0x38;
	[tilespmem:$0x2480] =	vst v63  }
0x1f: {  	_ =	swait.ge [sflag:s9], $0x1000  }
0x20: {  	s17 =	simm.s32 @!p0 $0x0;
	[sflag:s9] =	ssyncset.done $0x0  }
0x21: {  	s18 =	simm.s32 @!p0 $0x2080;
	s19 =	simm.s32 @!p0 $0x3;
	[sflag:s9] =	ssyncadd.s32 $0xFFFFF000  }
0x22: {  	[tilespmem:s18], [sflag:$0x3] =	stream.linear.gather @!p0 [hbm4b:s6+s17], $0x400, $0x38;
	[tilespmem:$0x2480] =	vst v63  }
0x23: {  	_ =	swait.ge @!p0 [sflag:s19], $0x400  }
0x24: {  	[sflag:s19] =	ssyncset.done @!p0 $0x0  }
0x25: {  	[sflag:s19] =	ssyncadd.s32 @!p0 $0xFFFFFC00  }
0x26: {  	[hbm4b:s7+s17] =	stream.linear.scatter @!p0 [tilespmem:s18], [sflag:$0x2], $0x400, $0x38;
	[tilespmem:$0x2480] =	vst v63  }
0x27: {  	s17 =	simm.s32 @!p0 $0x2  }
0x28: {  	_ =	swait.ge @!p0 [sflag:s17], $0x400  }
0x29: {  	[sflag:s17] =	ssyncset.done @!p0 $0x0  }
0x2a: {  	[sflag:s17] =	ssyncadd.s32 @!p0 $0xFFFFFC00;
	s17 =	simm.s32 $0x0  }
.LBB2_2:
0x2b: {  	p1 =	sne.s32 s17, $0x3FC0  }
.Ltmp2:
0x2c: {  	_ = 	snop;
	(pc) =	sbr.rel @p1 .LBB2_2-.Ltmp2, $3  }
0x2d: {  	_ =	sdelay $0x1  }
0x2e: {  	s18 =	sshra.s32 s17, $0x2;
	v15 =	vimm.s32 $0x0  }
0x2f: {  	s17 =	sadd.s32 $0x40, s17;
	[tilespmem:s18+$0x1000] =	vst v15  }
0x30: {  	s17 =	simm.s32 $0x0  }
0x31: {  	v16 =	vld [tilespmem:s17+$0x0];
	_ =	sdelay $0x4  }
0x32: {  	s18 =	simm.s32 $0x10;
	v16 =	vmul.f32 $1.250000000e-01, v16  }
0x33: {  	v17 =	vld [tilespmem:s18+$0x0]  }
0x34: {  	v16 =	vtrunc.f32 v16  }
0x35: {  	v18 =	vcvt.f32.s32 v16;
	_ =	sdelay $0x1  }
0x36: {  	s17 =	simm.s32 $0x80;
	v16 =	vimm.s32 $0x0;
	vm3 =	vgt.s32 v18, $0x0  }
.LBB2_4:
0x37: {  	s18 =	sshra.s32 s17, $0x2;
	p1 =	sne.s32 s17, $0x3FC0;
	s17 =	sadd.s32 $0x40, s17;
	v19 =	vmul.f32 $1.250000000e-01, v17;
	v18 =	vnsel vm3, $0x0, v18  }
.Ltmp3:
0x38: {  	v17 =	vld [tilespmem:s18+$0x0];
	v18 =	vmin.u32 v18, $0x1F;
	(pc) =	sbr.rel @p1 .LBB2_4-.Ltmp3, $4  }
0x39: {  	v19 =	vtrunc.f32 v19;
	vm3 =	vlt.u32 v18, v0;
	vm4 =	veq.s32 v18, v0  }
0x3a: {  	v18 =	vcvt.f32.s32 v19;
	v19 =	vsel vm3, $0x1, v1;
	v20 =	vsel vm4, $0x1, v1  }
0x3b: {  	v15 =	vadd.s32 v19, v15;
	v16 =	vadd.s32 v20, v16  }
0x3c: {  	vm3 =	vgt.s32 v18, $0x0  }
0x3d: {  	v17 =	vmul.f32 $1.250000000e-01, v17;
	_ =	sdelay $0x1  }
0x3e: {  	v17 =	vtrunc.f32 v17  }
0x3f: {  	v17 =	vcvt.f32.s32 v17;
	_ =	sdelay $0x1  }
0x40: {  	v18 =	vnsel vm3, $0x0, v18;
	vm3 =	vgt.s32 v17, $0x0  }
0x41: {  	v18 =	vmin.u32 v18, $0x1F;
	v17 =	vnsel vm3, $0x0, v17  }
0x42: {  	vm3 =	veq.s32 v18, v0;
	v17 =	vmin.u32 v17, $0x1F  }
0x43: {  	v19 =	vsel vm3, $0x1, v1;
	vm3 =	veq.s32 v17, v0  }
0x44: {  	v16 =	vadd.s32 v19, v16;
	v19 =	vsel vm3, $0x1, v1  }
0x45: {  	v16 =	vadd.s32 v19, v16  }
0x46: {  	v19 =	vperm.xlane v16, v2  }
0x47: {  	vm4 =	veq.s32 v3, $0x0;
	vm3 =	vlt.u32 v18, v0  }
0x48: {  	v18 =	vsel vm3, $0x1, v1;
	vm3 =	vlt.u32 v17, v0;
	v17 =	vsel vm4, $0x0, v19  }
0x49: {  	v15 =	vadd.s32 v18, v15;
	v18 =	vsel vm3, $0x1, v1;
	v17 =	vadd.s32 v16, v17  }
0x4a: {  	v15 =	vadd.s32 v18, v15;
	v18 =	vperm.xlane v17, v4  }
0x4b: {  	v19 =	vperm.xlane v15, v2  }
0x4c: {  	v18 =	vsel vm0, $0x0, v18  }
0x4d: {  	v17 =	vadd.s32 v18, v17;
	v18 =	vsel vm4, $0x0, v19  }
0x4e: {  	v19 =	vperm.xlane v17, v5;
	v15 =	vadd.s32 v15, v18  }
0x4f: {  	v18 =	vperm.xlane v15, v4  }
0x50: {  	v19 =	vsel vm1, $0x0, v19  }
0x51: {  	v17 =	vadd.s32 v19, v17;
	v18 =	vsel vm0, $0x0, v18  }
0x52: {  	v19 =	vperm.xlane v17, v6;
	v18 =	vadd.s32 v18, v15  }
0x53: {  	v20 =	vperm.xlane v18, v5  }
0x54: {  	v15 =	vsel vm2, $0x0, v19  }
0x55: {  	v15 =	vadd.s32 v15, v17;
	v17 =	vsel vm1, $0x0, v20  }
0x56: {  	s17 =	simm.s32 $0x0;
	v19 =	vsub.s32 v15, v16;
	v16 =	vadd.s32 v17, v18  }
0x57: {  	s18 =	simm.s32 $0x10;
	s19 =	simm.s32 $0x0;
	v20 =	vld [tilespmem:s17+$0x0];
	v17 =	vperm.xlane v16, v6;
	v18 =	vmov v19  }
.LBB2_6:
0x58: {  	p1 =	sne.s32 s18, $0xFF0;
	_ =	sdelay $0x3  }
0x59: {  	v20 =	vmul.f32 $1.250000000e-01, v20;
	_ =	sdelay $0x1  }
0x5a: {  	v20 =	vtrunc.f32 v20  }
0x5b: {  	v20 =	vcvt.f32.s32 v20;
	_ =	sdelay $0x1  }
0x5c: {  	vm3 =	vgt.s32 v20, $0x0  }
0x5d: {  	v20 =	vnsel vm3, $0x0, v20  }
0x5e: {  	v20 =	vmin.u32 v20, $0x1F  }
0x5f: {  	vm3 =	veq.s32 v20, v0  }
0x60: {  	v20 =	vsel vm3, $0x1, v1  }
0x61: {  	v19 =	vadd.s32 v20, v19  }
.Ltmp4:
0x62: {  	(pc) =	sbr.rel @p1 .LBB2_6-.Ltmp4, $4  }
0x63: {  	_ = 	snop  }
0x64: {  	v20 =	vor.u32 s17, v3;
	s17 =	smov.u32 s18  }
0x65: {  	s19 =	sadd.s32 $0x10, s19;
	[tilespmem:v18+s10+$0x0] =	vst.idx.msk vm3, v20;
	v18 =	vmov v19  }
0x66: {  	s18 =	sadd.s32 $0x10, s18;
	v20 =	vld [tilespmem:s19+$0x0]  }
0x67: {  	(v2sf) =	vpush v15, $0xF;
	_ =	sdelay $0xd  }
0x68: {  	v19 =	vmul.f32 $1.250000000e-01, v20  }
0x69: {  	s18 =	spop (v2sf)  }
0x6a: {  	v19 =	vtrunc.f32 v19;
	s18 =	sadd.s32 $0x7F, s18  }
0x6b: {  	v19 =	vcvt.f32.s32 v19;
	s19 =	sand.u32 $0x7F, s18  }
0x6c: {  	s31 =	sshra.s32 s18, $0x1F;
	p2 =	slt.s32 s18, $0x1;
	p1 =	sne.s32 s19, $0x0  }
0x6d: {  	vm3 =	vgt.s32 v19, $0x0;
	s19 =	sshrl.u32 s31, $0x19;
	p1 =	por !p2, !p1  }
0x6e: {  	v19 =	vnsel vm3, $0x0, v19;
	s18 =	sadd.s32 s19, s18;
	s19 =	simm.s32 $0x1;
	p1 =	por !p1, !p1  }
0x6f: {  	v19 =	vmin.u32 v19, $0x1F;
	s18 =	sshra.s32 s18, $0x7;
	s19 =	simm.s32 @!p1 $0x0  }
0x70: {  	vm3 =	veq.s32 v19, v0;
	s18 =	ssub.s32 s18, s19  }
0x71: {  	p1 =	slt.s32 s18, $0x1  }
.Ltmp5:
0x72: {  	_ = 	snop;
	(pc) =	sbr.rel @p1 .LBB2_11-.Ltmp5, $3  }
0x73: {  	_ =	sdelay $0x1  }
0x74: {  	v19 =	vor.u32 s17, v3  }
0x75: {  	[tilespmem:v18+s10+$0x0] =	vst.idx.msk vm3, v19  }
0x76: {  	v16 =	vadd.s32 v17, v16;
	s17 =	simm.s32 $0x40  }
0x77: {  	v15 =	vbroadcast v15, $0xF;
	s19 =	simm.s32 $0x70;
	s20 =	simm.s32 $0x50;
	s28 =	simm.s32 $0x60;
	v16 =	vbroadcast v16, $0xF;
	v17 =	vor.u32 s17, v3  }
0x78: {  	s21 =	simm.s32 $0x20;
	s29 =	simm.s32 $0x30;
	s30 =	simm.s32 $0x10;
	v18 =	vor.u32 s19, v3;
	v19 =	vor.u32 s20, v3;
	v20 =	vor.u32 s28, v3  }
0x79: {  	s31 =	simm.s32 $0x0;
	v21 =	vor.u32 s21, v3;
	v22 =	vor.u32 s29, v3;
	v23 =	vor.u32 s30, v3  }
0x7a: {  	v63 =	vor.u32 s31, v3;
	vm4 =	vlt.s32 v21, v15;
	v21 =	vadd.s32 v16, v21  }
0x7b: {  	vm3 =	vlt.s32 v18, v15;
	v18 =	vadd.s32 v16, v18;
	v21 =	vsel vm4, v21, v9  }
0x7c: {  	v24 =	vadd.s32 v16, v22;
	v18 =	vsel vm3, v18, v14;
	vm3 =	vlt.s32 v22, v15;
	[tilespmem:$0x2020] =	vst v21  }
0x7d: {  	p1 =	sne.s32 s18, $0x1;
	vm14 =	vlt.s32 v19, v15;
	v19 =	vadd.s32 v16, v19;
	v62 =	vsel vm3, v24, v10;
	[tilespmem:$0x2070] =	vst v18  }
.Ltmp6:
0x7e: {  	vm3 =	vlt.s32 v17, v15;
	v17 =	vadd.s32 v16, v17;
	v18 =	vsel vm14, v19, v12;
	[tilespmem:$0x2030] =	vst v62;
	(pc) =	sbr.rel @!p1 .LBB2_10-.Ltmp6, $4  }
0x7f: {  	vm5 =	vlt.s32 v20, v15;
	v19 =	vadd.s32 v16, v20;
	v17 =	vsel vm3, v17, v11;
	[tilespmem:$0x2050] =	vst v18  }
0x80: {  	v18 =	vsel vm5, v19, v13;
	vm3 =	vlt.s32 v63, v15;
	v19 =	vadd.s32 v16, v63;
	[tilespmem:$0x2040] =	vst v17  }
0x81: {  	s20 =	simm.s32 $0x1000;
	vm15 =	vlt.s32 v23, v15;
	v17 =	vadd.s32 v16, v23;
	v19 =	vsel vm3, v19, v7;
	[tilespmem:$0x2060] =	vst v18  }
0x82: {  	s17 =	sadd.s32 $0xFFFFFFFF, s18;
	s18 =	simm.s32 $0xF0;
	s19 =	simm.s32 $0x1000;
	v17 =	vsel vm15, v17, v8;
	[tilespmem:$0x2000] =	vst v19  }
.LBB2_9:
0x83: {  	p1 =	sne.s32 s17, $0x1;
	s17 =	sadd.s32 $0xFFFFFFFF, s17;
	[tilespmem:$0x2010] =	vst v17;
	s19 =	sadd.s32 $0x80, s19  }
0x84: {  	[tilespmem:s13], [sflag:$0x1] =	stream.indirect.gather [hbm4b:s5+s12], $0x8, s20, s12, $0xb8;
	[tilespmem:$0x2480] =	vst v63  }
0x85: {  	s21 =	sadd.s32 $0xFFFFFFE0, s18;
	s20 =	sadd.s32 $0xFFFFFFD0, s18;
	_ =	swait.ge [sflag:s11], $0x400  }
0x86: {  	s22 =	sadd.s32 $0xFFFFFFB0, s18;
	v18 =	vor.u32 s18, v3;
	v17 =	vor.u32 s20, v3;
	s20 =	sadd.s32 $0xFFFFFFF0, s18;
	[sflag:s11] =	ssyncset.done $0x0  }
0x87: {  	s23 =	sadd.s32 $0xFFFFFFA0, s18;
	s24 =	sadd.s32 $0xFFFFFFC0, s18;
	v19 =	vor.u32 s21, v3;
	vm4 =	vlt.s32 v18, v15;
	v20 =	vor.u32 s20, v3;
	[sflag:s11] =	ssyncadd.s32 $0xFFFFFC00  }
0x88: {  	v21 =	vor.u32 s22, v3;
	v22 =	vor.u32 s24, v3;
	v18 =	vadd.s32 v16, v18;
	[hbm4b:s2+s12] =	stream.indirect.scatter [tilespmem:s13], [sflag:$0x2], $0x8, s14, s12, $0xb8;
	[tilespmem:$0x2480] =	vst v63  }
0x89: {  	v23 =	vor.u32 s23, v3;
	vm5 =	vlt.s32 v21, v15;
	s20 =	smov.u32 s19;
	vm3 =	vlt.s32 v20, v15;
	_ =	swait.ge [sflag:s15], $0x400  }
0x8a: {  	v21 =	vadd.s32 v16, v21;
	v24 =	vadd.s32 v16, v22;
	v18 =	vsel vm4, v18, v14;
	[sflag:s15] =	ssyncset.done $0x0  }
0x8b: {  	vm4 =	vlt.s32 v22, v15;
	v21 =	vsel vm5, v21, v9;
	vm5 =	vlt.s32 v17, v15;
	[sflag:s15] =	ssyncadd.s32 $0xFFFFFC00  }
0x8c: {  	v22 =	vadd.s32 v16, v23;
	vm6 =	vlt.s32 v19, v15;
	[tilespmem:$0x2020] =	vst v21;
	v21 =	vadd.s32 v16, v17  }
0x8d: {  	vm7 =	vlt.s32 v23, v15;
	v19 =	vadd.s32 v16, v19;
	v23 =	vsel vm4, v24, v10;
	[tilespmem:$0x2070] =	vst v18  }
.Ltmp7:
0x8e: {  	s21 =	sadd.s32 $0xFFFFFF90, s18;
	v17 =	vsel vm7, v22, v8;
	v18 =	vsel vm6, v19, v12;
	v19 =	vadd.s32 v16, v20;
	[tilespmem:$0x2030] =	vst v23;
	(pc) =	sbr.rel @p1 .LBB2_9-.Ltmp7, $4  }
0x8f: {  	v20 =	vor.u32 s21, v3;
	v21 =	vsel vm5, v21, v11;
	[tilespmem:$0x2050] =	vst v18;
	v18 =	vsel vm3, v19, v13  }
0x90: {  	vm3 =	vlt.s32 v20, v15;
	v19 =	vadd.s32 v16, v20;
	[tilespmem:$0x2040] =	vst v21  }
0x91: {  	v19 =	vsel vm3, v19, v7;
	[tilespmem:$0x2060] =	vst v18  }
0x92: {  	s18 =	sadd.s32 $0x80, s18;
	[tilespmem:$0x2000] =	vst v19  }
.Ltmp8:
0x93: {  	_ = 	snop;
	(pc) =	sbr.rel .LBB2_10-.Ltmp8, $1  }
0x94: {  	_ =	sdelay $0x3  }
.LBB2_12:
0x95: {  	_ =	sfence.sel $0x180000  }
0x96: {  	[bflag:$0x0] =	sbarrier.arrive $0xFFFF  }
0x97: {  	p0 =	sne.s32 s0, $0x0;
	_ =	strace $0x90000047  }
0x98: {  	s0 =	sadd.s32 @!p0 $0x100000, s1;
	[bflag:$0x2] =	sbarrier.arrive $0xFFFF  }
0x99: {  	[sflag:s0] =	ssyncadd.tile.s32 @!p0 $0x1;
	_ =	shalt  }
.Lfunc_end2:
_tile_overlayer_lowered:
.L_overlay_start_2:
0x9a: {  	(tag) =	ssettag $0x2  }
0x9b: {  	s0 =	rddreg [dreg:$0x0];
	s2 =	stileid.u32  }
0x9c: {  	s1 =	rddreg [dreg:$0x1];
	p0 =	sne.s32 s2, $0x0  }
0x9d: {  	s3 =	rddreg [dreg:$0x2];
	[bflag:$0x3] =	sbarrier.arrive $0xFFFF;
	s2 =	simm.s32 @!p0 $0x1C03  }
0x9e: {  	[timem:s3], [sflag:s2] =	dma.local @!p0 [hbm:s0], s1  }
0x9f: {  	s0 =	simm.s32 @!p0 $0x3  }
0xa0: {  	_ =	swait.ge @!p0 [sflag:s0], s1  }
0xa1: {  	s1 =	ssub.s32 @!p0 $0x0, s1;
	[sflag:s0] =	ssyncset.done @!p0 $0x0  }
0xa2: {  	[sflag:s0] =	ssyncadd.s32 @!p0 s1  }
0xa3: {  	[bflag:$0x3] =	sbarrier.arrive $0xFFFF  }
0xa4: {  	_ =	shalt  }

</sc_bundles>
